<compile_context>
chip_gen: v7x
topology: tpu7x:2x2x1
jax: 0.10.2.dev20260603
libtpu: 0.0.44.dev20260713+nightly
codegen_flags: <defaults>
</compile_context>

<pallas_src>
import functools

import jax
import jax.numpy as jnp
from jax.experimental import pallas as pl
from jax.experimental.pallas import tpu as pltpu

B, H, DIM, RANK = 64, 8, 256, 64
EPS = 1e-06
LANES = 2 * RANK


def _sasaki_kernel(ns_ref, gamma_ref, u_ref, v_ref, k_ref, vv_ref,
                   y_ref, uo_ref, vo_ref):
    bi = pl.program_id(0)

    ridx = jax.lax.broadcasted_iota(jnp.int32, (LANES, 1), 0)
    even = (ridx % 2) == 0
    alt = jnp.where(even, 1.0, -1.0)
    li = jax.lax.broadcasted_iota(jnp.int32, (DIM, LANES), 1)

    def pack(cv):
        swap = jnp.where(even, jnp.roll(cv, -1, axis=0), jnp.roll(cv, 1, axis=0))
        return jnp.concatenate([cv * alt, swap], axis=1)

    for h in range(H):
        j = ns_ref[bi, h]
        g = jnp.clip(gamma_ref[bi, h], 0.0, 1.0)

        A = u_ref[0, h]
        K = k_ref[0, h]

        t = jax.lax.dot_general(A, K, (((0,), (0,)), ((), ())),
                                preferred_element_type=jnp.float32)
        t0 = t[:, 0:1]
        t1 = t[:, 1:2]
        c = jnp.where(even, t0 + jnp.roll(t1, -1, axis=0),
                      jnp.roll(t1, 1, axis=0) - t0)

        k_proj = jnp.dot(A, pack(c), preferred_element_type=jnp.float32)
        k_perp = K - k_proj
        sq = jnp.sum(k_perp * k_perp)
        norm = jnp.sqrt(jnp.maximum(sq, EPS * EPS))
        u_new = k_perp / norm

        mask_r = li == 2 * j
        mask_i = li == 2 * j + 1
        uo_ref[0, h] = jnp.where(mask_r, u_new[:, 0:1],
                                 jnp.where(mask_i, u_new[:, 1:2], A))

        ur = u_new[:, 0:1]
        ui = u_new[:, 1:2]
        kr = K[:, 0:1]
        ki = K[:, 1:2]
        dr = jnp.sum(ur * kr + ui * ki)
        di = jnp.sum(ur * ki - ui * kr)
        cq = jnp.where(ridx == 2 * j, dr, jnp.where(ridx == 2 * j + 1, di, c))

        Vb = v_ref[0, h]
        vv = vv_ref[0, h]
        V_new = g * jnp.where(mask_r, vv[:, 0:1],
                              jnp.where(mask_i, vv[:, 1:2], Vb))
        vo_ref[0, h] = V_new
        y_ref[0, h] = jnp.dot(V_new, pack(cq),
                              preferred_element_type=jnp.float32)


@functools.partial(jax.jit, static_argnames=())
def kernel(U, V, k, v, gamma, next_slot, filled):
    U2 = U.reshape(B, H, DIM, LANES)
    V2 = V.reshape(B, H, DIM, LANES)

    big_spec = pl.BlockSpec((1, H, DIM, LANES), lambda b: (b, 0, 0, 0))
    vec_spec = pl.BlockSpec((1, H, DIM, 2), lambda b: (b, 0, 0, 0))
    smem_spec = pl.BlockSpec(memory_space=pltpu.SMEM)

    y, U_new2, V_new2 = pl.pallas_call(
        _sasaki_kernel,
        grid=(B,),
        in_specs=[smem_spec, smem_spec, big_spec, big_spec, vec_spec, vec_spec],
        out_specs=[vec_spec, big_spec, big_spec],
        out_shape=[
            jax.ShapeDtypeStruct((B, H, DIM, 2), jnp.float32),
            jax.ShapeDtypeStruct((B, H, DIM, LANES), jnp.float32),
            jax.ShapeDtypeStruct((B, H, DIM, LANES), jnp.float32),
        ],
    )(next_slot, gamma, U2, V2, k, v)

    U_new = U_new2.reshape(B, H, DIM, RANK, 2)
    V_new = V_new2.reshape(B, H, DIM, RANK, 2)
    next_slot_new = (next_slot + 1) % RANK
    filled_new = jnp.minimum(filled + 1, jnp.full_like(filled, RANK))
    return (y, U_new, V_new, next_slot_new, filled_new)

# --- scband reference (transcript-rebuilt; emitter-appended) ---
"""Pipeline reference for scband-sasaki-projection-memory-75419625718530 (READ-ONLY COPY).

The authoritative reference and input builder live on the scoring server;
editing this copy changes nothing except your own understanding.
"""

import jax, jax.numpy as jnp
import numpy as np

B, H, DIM, RANK = 64, 8, 256, 64
EPS = 1e-06


def _proj_coeffs(U, x):
    # U: [B,H,d,r,2], x: [B,H,d,2] -> coef = U^dagger x : [B,H,r,2]
    Ur, Ui = U[..., 0], U[..., 1]
    xr, xi = x[..., 0], x[..., 1]
    cr = jnp.einsum('bhdr,bhd->bhr', Ur, xr) + jnp.einsum('bhdr,bhd->bhr', Ui, xi)
    ci = jnp.einsum('bhdr,bhd->bhr', Ur, xi) - jnp.einsum('bhdr,bhd->bhr', Ui, xr)
    return jnp.stack([cr, ci], axis=-1)


def _apply_basis(U, coef):
    # U: [B,H,d,r,2], coef: [B,H,r,2] -> y = U coef : [B,H,d,2]
    Ur, Ui = U[..., 0], U[..., 1]
    cr, ci = coef[..., 0], coef[..., 1]
    yr = jnp.einsum('bhdr,bhr->bhd', Ur, cr) - jnp.einsum('bhdr,bhr->bhd', Ui, ci)
    yi = jnp.einsum('bhdr,bhr->bhd', Ur, ci) + jnp.einsum('bhdr,bhr->bhd', Ui, cr)
    return jnp.stack([yr, yi], axis=-1)


def setup_inputs(seed: int = 0) -> dict:
    key = jax.random.key(seed)
    ks = jax.random.split(key, 7)
    U = jax.random.normal(ks[0], (B, H, DIM, RANK, 2), dtype=jnp.float32)
    V = jax.random.normal(ks[1], (B, H, DIM, RANK, 2), dtype=jnp.float32)
    k = jax.random.normal(ks[2], (B, H, DIM, 2), dtype=jnp.float32)
    v = jax.random.normal(ks[3], (B, H, DIM, 2), dtype=jnp.float32)
    gamma = jax.random.uniform(ks[4], (B, H), dtype=jnp.float32)
    next_slot = jax.random.randint(ks[5], (B, H), 0, RANK, dtype=jnp.int32)
    filled = jax.random.randint(ks[6], (B, H), 0, RANK, dtype=jnp.int32)
    return {"U": U, "V": V, "k": k, "v": v, "gamma": gamma,
            "next_slot": next_slot, "filled": filled}


def reference(U, V, k, v, gamma, next_slot, filled):
    # streaming_step: project k onto orthocomplement of span(U)
    coef = _proj_coeffs(U, k)
    k_proj = _apply_basis(U, coef)
    k_perp = k - k_proj
    sq = (jnp.square(k_perp[..., 0]) + jnp.square(k_perp[..., 1])).sum(axis=-1, keepdims=True)  # [B,H,1]
    norm_real = jnp.sqrt(jnp.maximum(sq, EPS ** 2))[..., None]  # [B,H,1,1]
    u_new = k_perp / norm_real
    # scatter-overwrite column j = next_slot into U and V (circular slot write)
    b_idx = jnp.arange(B)[:, None]
    h_idx = jnp.arange(H)[None, :]
    U_new = U.at[b_idx, h_idx, :, next_slot].set(u_new)
    V_new = V.at[b_idx, h_idx, :, next_slot].set(v)
    # gamma decay on value columns
    g = jnp.clip(gamma, 0.0, 1.0)[:, :, None, None, None]
    V_new = V_new * g
    # slot bookkeeping
    next_slot_new = (next_slot + 1) % RANK
    filled_new = jnp.minimum(filled + 1, jnp.full_like(filled, RANK))
    # retrieve: y = V_aligned (U^dagger q) with q = k
    coef_q = _proj_coeffs(U_new, k)
    y = _apply_basis(V_new, coef_q)
    return (y, U_new, V_new, next_slot_new, filled_new)

if __name__ == "__main__":
    import jax
    _d = setup_inputs()
    print(jax.jit(kernel)(*tuple(_d.values())))

</pallas_src>

<mosaic_0001>
module attributes {stable_mosaic.version = 14 : i64} {
  func.func @_sasaki_kernel(%arg0: i32, %arg1: memref<64x8xi32, #tpu.memory_space<smem>>, %arg2: memref<64x8xf32, #tpu.memory_space<smem>>, %arg3: memref<1x8x256x128xf32, #tpu.memory_space<vmem>>, %arg4: memref<1x8x256x128xf32, #tpu.memory_space<vmem>>, %arg5: memref<1x8x256x2xf32, #tpu.memory_space<vmem>>, %arg6: memref<1x8x256x2xf32, #tpu.memory_space<vmem>>, %arg7: memref<1x8x256x2xf32, #tpu.memory_space<vmem>>, %arg8: memref<1x8x256x128xf32, #tpu.memory_space<vmem>>, %arg9: memref<1x8x256x128xf32, #tpu.memory_space<vmem>>) attributes {dimension_semantics = [#tpu.dimension_semantics<arbitrary>], iteration_bounds = array<i64: 64>, scalar_prefetch = 0 : i64, scratch_operands = 0 : i64, tpu.core_type = #tpu.core_type<tc>, window_params = [{transform_indices = @transform_0, window_bounds = array<i64: 64, 8>}, {transform_indices = @transform_1, window_bounds = array<i64: 64, 8>}, {transform_indices = @transform_2, window_bounds = array<i64: 1, 8, 256, 128>}, {transform_indices = @transform_3, window_bounds = array<i64: 1, 8, 256, 128>}, {transform_indices = @transform_4, window_bounds = array<i64: 1, 8, 256, 2>}, {transform_indices = @transform_5, window_bounds = array<i64: 1, 8, 256, 2>}, {transform_indices = @transform_6, window_bounds = array<i64: 1, 8, 256, 2>}, {transform_indices = @transform_7, window_bounds = array<i64: 1, 8, 256, 128>}, {transform_indices = @transform_8, window_bounds = array<i64: 1, 8, 256, 128>}]} {
    %iota3A = tpu.iota {dimensions = array<i32: 0>} : vector<128x1xi32>
    %jit3A = arith.constant 2 : i32
    %eq3A = arith.constant 0 : i32
    %eq3A_0 = arith.cmpi eq, %jit3A, %eq3A : i32
    %jit3A_1 = arith.constant 1 : i32
    %select_n3A = arith.select %eq3A_0, %jit3A_1, %jit3A : i32
    %rem3A = vector.broadcast %select_n3A : i32 to vector<128x1xi32>
    %rem3A_2 = arith.remsi %iota3A, %rem3A : vector<128x1xi32>
    %ne3A = arith.constant 0 : i32
    %ne3A_3 = vector.broadcast %ne3A : i32 to vector<128x1xi32>
    %ne3A_4 = arith.cmpi ne, %rem3A_2, %ne3A_3 : vector<128x1xi32>
    %lt3A = arith.constant 0 : i32
    %lt3A_5 = vector.broadcast %lt3A : i32 to vector<128x1xi32>
    %lt3A_6 = arith.cmpi slt, %rem3A_2, %lt3A_5 : vector<128x1xi32>
    %lt3A_7 = arith.constant 0 : i32
    %lt3A_8 = arith.cmpi slt, %select_n3A, %lt3A_7 : i32
    %ne3A_9 = vector.broadcast %lt3A_8 : i1 to vector<128x1xi1>
    %ne3A_10 = vector.broadcast %ne3A_9 : vector<128x1xi1> to vector<128x1xi1>
    %ne3A_11 = arith.xori %lt3A_6, %ne3A_10 : vector<128x1xi1>
    %and3A = arith.andi %ne3A_11, %ne3A_4 : vector<128x1xi1>
    %add3A = vector.broadcast %select_n3A : i32 to vector<128x1xi32>
    %add3A_12 = arith.addi %rem3A_2, %add3A : vector<128x1xi32>
    %select_n3A_13 = arith.select %and3A, %add3A_12, %rem3A_2 : vector<128x1xi1>, vector<128x1xi32>
    %eq3A_14 = arith.constant 0 : i32
    %eq3A_15 = vector.broadcast %eq3A_14 : i32 to vector<128x1xi32>
    %eq3A_16 = arith.cmpi eq, %select_n3A_13, %eq3A_15 : vector<128x1xi32>
    %jit3A_17 = arith.constant 1.000000e+00 : f32
    %jit3A_18 = arith.constant -1.000000e+00 : f32
    %broadcast_in_dim3A = vector.broadcast %jit3A_17 : f32 to vector<128x1xf32>
    %broadcast_in_dim3A_19 = vector.broadcast %jit3A_18 : f32 to vector<128x1xf32>
    %select_n3A_20 = arith.select %eq3A_16, %broadcast_in_dim3A, %broadcast_in_dim3A_19 : vector<128x1xi1>, vector<128x1xf32>
    %iota3A_21 = tpu.iota {dimensions = array<i32: 1>} : vector<256x128xi32>
    %get3A = arith.index_cast %arg0 : i32 to index
    %get3A_22 = arith.constant 0 : index
    %get3A_23 = memref.load %arg1[%get3A, %get3A_22] : memref<64x8xi32, #tpu.memory_space<smem>>
    %get3A_24 = arith.index_cast %arg0 : i32 to index
    %get3A_25 = arith.constant 0 : index
    %get3A_26 = memref.load %arg2[%get3A_24, %get3A_25] : memref<64x8xf32, #tpu.memory_space<smem>>
    %jit3A_27 = arith.constant 0.000000e+00 : f32
    %jit3A_28 = arith.constant 1.000000e+00 : f32
    %max3A = arith.maximumf %jit3A_27, %get3A_26 : f32
    %min3A = arith.minimumf %jit3A_28, %max3A : f32
    %get3A_29 = arith.constant 0 : index
    %get3A_30 = arith.constant 0 : index
    %get3A_31 = arith.constant 0 : index
    %get3A_32 = arith.constant 0 : index
    %get3A_33 = vector.load %arg3[%get3A_29, %get3A_30, %get3A_31, %get3A_32] : memref<1x8x256x128xf32, #tpu.memory_space<vmem>>, vector<1x1x256x128xf32>
    %get3A_34 = vector.shape_cast %get3A_33 : vector<1x1x256x128xf32> to vector<256x128xf32>
    %get3A_35 = arith.constant 0 : index
    %get3A_36 = arith.constant 0 : index
    %get3A_37 = arith.constant 0 : index
    %get3A_38 = arith.constant 0 : index
    %get3A_39 = vector.load %arg5[%get3A_35, %get3A_36, %get3A_37, %get3A_38] : memref<1x8x256x2xf32, #tpu.memory_space<vmem>>, vector<1x1x256x2xf32>
    %get3A_40 = vector.shape_cast %get3A_39 : vector<1x1x256x2xf32> to vector<256x2xf32>
    %dot_general3A = arith.constant dense<0.000000e+00> : vector<128x2xf32>
    %dot_general3A_41 = tpu.matmul %get3A_34, %get3A_40, %dot_general3A {dimension_numbers = #tpu.dot_dimension_numbers<[0], [0], [1], [1], [0, 1, 1, 1], [], []>, transpose_lhs_hint = false} : vector<256x128xf32>, vector<256x2xf32>, vector<128x2xf32> -> vector<128x2xf32>
    %slice3A = vector.extract_strided_slice %dot_general3A_41 {offsets = [0, 0], sizes = [128, 1], strides = [1, 1]} : vector<128x2xf32> to vector<128x1xf32>
    %slice3A_42 = vector.extract_strided_slice %dot_general3A_41 {offsets = [0, 1], sizes = [128, 1], strides = [1, 1]} : vector<128x2xf32> to vector<128x1xf32>
    %slice3A_43 = vector.extract_strided_slice %slice3A_42 {offsets = [1, 0], sizes = [127, 1], strides = [1, 1]} : vector<128x1xf32> to vector<127x1xf32>
    %slice3A_44 = vector.extract_strided_slice %slice3A_42 {offsets = [0, 0], sizes = [1, 1], strides = [1, 1]} : vector<128x1xf32> to vector<1x1xf32>
    %concatenate3A = tpu.concatenate %slice3A_43, %slice3A_44 in 0 : vector<127x1xf32>, vector<1x1xf32> -> vector<128x1xf32>
    %add3A_45 = arith.addf %slice3A, %concatenate3A : vector<128x1xf32>
    %slice3A_46 = vector.extract_strided_slice %slice3A_42 {offsets = [127, 0], sizes = [1, 1], strides = [1, 1]} : vector<128x1xf32> to vector<1x1xf32>
    %slice3A_47 = vector.extract_strided_slice %slice3A_42 {offsets = [0, 0], sizes = [127, 1], strides = [1, 1]} : vector<128x1xf32> to vector<127x1xf32>
    %concatenate3A_48 = tpu.concatenate %slice3A_46, %slice3A_47 in 0 : vector<1x1xf32>, vector<127x1xf32> -> vector<128x1xf32>
    %sub3A = arith.subf %concatenate3A_48, %slice3A : vector<128x1xf32>
    %select_n3A_49 = arith.select %eq3A_16, %add3A_45, %sub3A : vector<128x1xi1>, vector<128x1xf32>
    %slice3A_50 = vector.extract_strided_slice %select_n3A_49 {offsets = [1, 0], sizes = [127, 1], strides = [1, 1]} : vector<128x1xf32> to vector<127x1xf32>
    %slice3A_51 = vector.extract_strided_slice %select_n3A_49 {offsets = [0, 0], sizes = [1, 1], strides = [1, 1]} : vector<128x1xf32> to vector<1x1xf32>
    %concatenate3A_52 = tpu.concatenate %slice3A_50, %slice3A_51 in 0 : vector<127x1xf32>, vector<1x1xf32> -> vector<128x1xf32>
    %slice3A_53 = vector.extract_strided_slice %select_n3A_49 {offsets = [127, 0], sizes = [1, 1], strides = [1, 1]} : vector<128x1xf32> to vector<1x1xf32>
    %slice3A_54 = vector.extract_strided_slice %select_n3A_49 {offsets = [0, 0], sizes = [127, 1], strides = [1, 1]} : vector<128x1xf32> to vector<127x1xf32>
    %concatenate3A_55 = tpu.concatenate %slice3A_53, %slice3A_54 in 0 : vector<1x1xf32>, vector<127x1xf32> -> vector<128x1xf32>
    %select_n3A_56 = arith.select %eq3A_16, %concatenate3A_52, %concatenate3A_55 : vector<128x1xi1>, vector<128x1xf32>
    %mul3A = arith.mulf %select_n3A_49, %select_n3A_20 : vector<128x1xf32>
    %concatenate3A_57 = tpu.concatenate %mul3A, %select_n3A_56 in 1 : vector<128x1xf32>, vector<128x1xf32> -> vector<128x2xf32>
    %dot_general3A_58 = arith.constant dense<0.000000e+00> : vector<256x2xf32>
    %dot_general3A_59 = tpu.matmul %get3A_34, %concatenate3A_57, %dot_general3A_58 {dimension_numbers = #tpu.dot_dimension_numbers<[1], [0], [0], [1], [0, 0, 1, 1], [], []>, transpose_lhs_hint = false} : vector<256x128xf32>, vector<128x2xf32>, vector<256x2xf32> -> vector<256x2xf32>
    %sub3A_60 = arith.subf %get3A_40, %dot_general3A_59 : vector<256x2xf32>
    %mul3A_61 = arith.mulf %sub3A_60, %sub3A_60 : vector<256x2xf32>
    %reduce_sum3A = vector.shape_cast %mul3A_61 : vector<256x2xf32> to vector<1x256x2xf32>
    %reduce_sum3A_62 = arith.constant dense<0.000000e+00> : vector<1xf32>
    %reduce_sum3A_63 = vector.multi_reduction <add>, %reduce_sum3A, %reduce_sum3A_62 [1, 2] : vector<1x256x2xf32> to vector<1xf32>
    %reduce_sum3A_64 = vector.shape_cast %reduce_sum3A_63 : vector<1xf32> to vector<1x1x1xf32>
    %reduce_sum3A_65 = vector.extract %reduce_sum3A_64[0, 0, 0] : f32 from vector<1x1x1xf32>
    %max3A_66 = arith.constant 9.99999996E-13 : f32
    %max3A_67 = arith.maximumf %reduce_sum3A_65, %max3A_66 : f32
    %sqrt3A = math.sqrt %max3A_67 : f32
    %div3A = vector.broadcast %sqrt3A : f32 to vector<256x2xf32>
    %div3A_68 = arith.divf %sub3A_60, %div3A : vector<256x2xf32>
    %mul3A_69 = arith.constant 2 : i32
    %mul3A_70 = arith.muli %mul3A_69, %get3A_23 : i32
    %eq3A_71 = vector.broadcast %mul3A_70 : i32 to vector<256x128xi32>
    %eq3A_72 = arith.cmpi eq, %iota3A_21, %eq3A_71 : vector<256x128xi32>
    %mul3A_73 = arith.constant 2 : i32
    %mul3A_74 = arith.muli %mul3A_73, %get3A_23 : i32
    %add3A_75 = arith.constant 1 : i32
    %add3A_76 = arith.addi %mul3A_74, %add3A_75 : i32
    %eq3A_77 = vector.broadcast %add3A_76 : i32 to vector<256x128xi32>
    %eq3A_78 = arith.cmpi eq, %iota3A_21, %eq3A_77 : vector<256x128xi32>
    %slice3A_79 = vector.extract_strided_slice %div3A_68 {offsets = [0, 0], sizes = [256, 1], strides = [1, 1]} : vector<256x2xf32> to vector<256x1xf32>
    %slice3A_80 = vector.extract_strided_slice %div3A_68 {offsets = [0, 1], sizes = [256, 1], strides = [1, 1]} : vector<256x2xf32> to vector<256x1xf32>
    %broadcast_in_dim3A_81 = vector.shape_cast %slice3A_80 : vector<256x1xf32> to vector<256x1xf32>
    %broadcast_in_dim3A_82 = vector.broadcast %broadcast_in_dim3A_81 : vector<256x1xf32> to vector<256x128xf32>
    %select_n3A_83 = arith.select %eq3A_78, %broadcast_in_dim3A_82, %get3A_34 : vector<256x128xi1>, vector<256x128xf32>
    %broadcast_in_dim3A_84 = vector.shape_cast %slice3A_79 : vector<256x1xf32> to vector<256x1xf32>
    %broadcast_in_dim3A_85 = vector.broadcast %broadcast_in_dim3A_84 : vector<256x1xf32> to vector<256x128xf32>
    %select_n3A_86 = arith.select %eq3A_72, %broadcast_in_dim3A_85, %select_n3A_83 : vector<256x128xi1>, vector<256x128xf32>
    %swap3A = arith.constant 0 : index
    %swap3A_87 = arith.constant 0 : index
    %swap3A_88 = arith.constant 0 : index
    %swap3A_89 = arith.constant 0 : index
    %swap3A_90 = vector.load %arg8[%swap3A, %swap3A_87, %swap3A_88, %swap3A_89] : memref<1x8x256x128xf32, #tpu.memory_space<vmem>>, vector<1x1x256x128xf32>
    %swap3A_91 = vector.shape_cast %swap3A_90 : vector<1x1x256x128xf32> to vector<256x128xf32>
    %swap3A_92 = vector.shape_cast %select_n3A_86 : vector<256x128xf32> to vector<1x1x256x128xf32>
    tpu.vector_store %arg8[%swap3A, %swap3A_87, %swap3A_88, %swap3A_89], %swap3A_92 {strides = array<i32>} : memref<1x8x256x128xf32, #tpu.memory_space<vmem>>, vector<1x1x256x128xf32>,
    %slice3A_93 = vector.extract_strided_slice %div3A_68 {offsets = [0, 0], sizes = [256, 1], strides = [1, 1]} : vector<256x2xf32> to vector<256x1xf32>
    %slice3A_94 = vector.extract_strided_slice %div3A_68 {offsets = [0, 1], sizes = [256, 1], strides = [1, 1]} : vector<256x2xf32> to vector<256x1xf32>
    %slice3A_95 = vector.extract_strided_slice %get3A_40 {offsets = [0, 0], sizes = [256, 1], strides = [1, 1]} : vector<256x2xf32> to vector<256x1xf32>
    %slice3A_96 = vector.extract_strided_slice %get3A_40 {offsets = [0, 1], sizes = [256, 1], strides = [1, 1]} : vector<256x2xf32> to vector<256x1xf32>
    %mul3A_97 = arith.mulf %slice3A_93, %slice3A_95 : vector<256x1xf32>
    %mul3A_98 = arith.mulf %slice3A_94, %slice3A_96 : vector<256x1xf32>
    %add3A_99 = arith.addf %mul3A_97, %mul3A_98 : vector<256x1xf32>
    %reduce_sum3A_100 = vector.shape_cast %add3A_99 : vector<256x1xf32> to vector<1x256x1xf32>
    %reduce_sum3A_101 = arith.constant dense<0.000000e+00> : vector<1xf32>
    %reduce_sum3A_102 = vector.multi_reduction <add>, %reduce_sum3A_100, %reduce_sum3A_101 [1, 2] : vector<1x256x1xf32> to vector<1xf32>
    %reduce_sum3A_103 = vector.shape_cast %reduce_sum3A_102 : vector<1xf32> to vector<1x1x1xf32>
    %reduce_sum3A_104 = vector.extract %reduce_sum3A_103[0, 0, 0] : f32 from vector<1x1x1xf32>
    %mul3A_105 = arith.mulf %slice3A_93, %slice3A_96 : vector<256x1xf32>
    %mul3A_106 = arith.mulf %slice3A_94, %slice3A_95 : vector<256x1xf32>
    %sub3A_107 = arith.subf %mul3A_105, %mul3A_106 : vector<256x1xf32>
    %reduce_sum3A_108 = vector.shape_cast %sub3A_107 : vector<256x1xf32> to vector<1x256x1xf32>
    %reduce_sum3A_109 = arith.constant dense<0.000000e+00> : vector<1xf32>
    %reduce_sum3A_110 = vector.multi_reduction <add>, %reduce_sum3A_108, %reduce_sum3A_109 [1, 2] : vector<1x256x1xf32> to vector<1xf32>
    %reduce_sum3A_111 = vector.shape_cast %reduce_sum3A_110 : vector<1xf32> to vector<1x1x1xf32>
    %reduce_sum3A_112 = vector.extract %reduce_sum3A_111[0, 0, 0] : f32 from vector<1x1x1xf32>
    %mul3A_113 = arith.constant 2 : i32
    %mul3A_114 = arith.muli %mul3A_113, %get3A_23 : i32
    %eq3A_115 = vector.broadcast %mul3A_114 : i32 to vector<128x1xi32>
    %eq3A_116 = arith.cmpi eq, %iota3A, %eq3A_115 : vector<128x1xi32>
    %mul3A_117 = arith.constant 2 : i32
    %mul3A_118 = arith.muli %mul3A_117, %get3A_23 : i32
    %add3A_119 = arith.constant 1 : i32
    %add3A_120 = arith.addi %mul3A_118, %add3A_119 : i32
    %eq3A_121 = vector.broadcast %add3A_120 : i32 to vector<128x1xi32>
    %eq3A_122 = arith.cmpi eq, %iota3A, %eq3A_121 : vector<128x1xi32>
    %broadcast_in_dim3A_123 = vector.broadcast %reduce_sum3A_112 : f32 to vector<128x1xf32>
    %select_n3A_124 = arith.select %eq3A_122, %broadcast_in_dim3A_123, %select_n3A_49 : vector<128x1xi1>, vector<128x1xf32>
    %broadcast_in_dim3A_125 = vector.broadcast %reduce_sum3A_104 : f32 to vector<128x1xf32>
    %select_n3A_126 = arith.select %eq3A_116, %broadcast_in_dim3A_125, %select_n3A_124 : vector<128x1xi1>, vector<128x1xf32>
    %get3A_127 = arith.constant 0 : index
    %get3A_128 = arith.constant 0 : index
    %get3A_129 = arith.constant 0 : index
    %get3A_130 = arith.constant 0 : index
    %get3A_131 = vector.load %arg4[%get3A_127, %get3A_128, %get3A_129, %get3A_130] : memref<1x8x256x128xf32, #tpu.memory_space<vmem>>, vector<1x1x256x128xf32>
    %get3A_132 = vector.shape_cast %get3A_131 : vector<1x1x256x128xf32> to vector<256x128xf32>
    %get3A_133 = arith.constant 0 : index
    %get3A_134 = arith.constant 0 : index
    %get3A_135 = arith.constant 0 : index
    %get3A_136 = arith.constant 0 : index
    %get3A_137 = vector.load %arg6[%get3A_133, %get3A_134, %get3A_135, %get3A_136] : memref<1x8x256x2xf32, #tpu.memory_space<vmem>>, vector<1x1x256x2xf32>
    %get3A_138 = vector.shape_cast %get3A_137 : vector<1x1x256x2xf32> to vector<256x2xf32>
    %slice3A_139 = vector.extract_strided_slice %get3A_138 {offsets = [0, 0], sizes = [256, 1], strides = [1, 1]} : vector<256x2xf32> to vector<256x1xf32>
    %slice3A_140 = vector.extract_strided_slice %get3A_138 {offsets = [0, 1], sizes = [256, 1], strides = [1, 1]} : vector<256x2xf32> to vector<256x1xf32>
    %broadcast_in_dim3A_141 = vector.shape_cast %slice3A_140 : vector<256x1xf32> to vector<256x1xf32>
    %broadcast_in_dim3A_142 = vector.broadcast %broadcast_in_dim3A_141 : vector<256x1xf32> to vector<256x128xf32>
    %select_n3A_143 = arith.select %eq3A_78, %broadcast_in_dim3A_142, %get3A_132 : vector<256x128xi1>, vector<256x128xf32>
    %broadcast_in_dim3A_144 = vector.shape_cast %slice3A_139 : vector<256x1xf32> to vector<256x1xf32>
    %broadcast_in_dim3A_145 = vector.broadcast %broadcast_in_dim3A_144 : vector<256x1xf32> to vector<256x128xf32>
    %select_n3A_146 = arith.select %eq3A_72, %broadcast_in_dim3A_145, %select_n3A_143 : vector<256x128xi1>, vector<256x128xf32>
    %mul3A_147 = vector.broadcast %min3A : f32 to vector<256x128xf32>
    %mul3A_148 = arith.mulf %mul3A_147, %select_n3A_146 : vector<256x128xf32>
    %swap3A_149 = arith.constant 0 : index
    %swap3A_150 = arith.constant 0 : index
    %swap3A_151 = arith.constant 0 : index
    %swap3A_152 = arith.constant 0 : index
    %swap3A_153 = vector.load %arg9[%swap3A_149, %swap3A_150, %swap3A_151, %swap3A_152] : memref<1x8x256x128xf32, #tpu.memory_space<vmem>>, vector<1x1x256x128xf32>
    %swap3A_154 = vector.shape_cast %swap3A_153 : vector<1x1x256x128xf32> to vector<256x128xf32>
    %swap3A_155 = vector.shape_cast %mul3A_148 : vector<256x128xf32> to vector<1x1x256x128xf32>
    tpu.vector_store %arg9[%swap3A_149, %swap3A_150, %swap3A_151, %swap3A_152], %swap3A_155 {strides = array<i32>} : memref<1x8x256x128xf32, #tpu.memory_space<vmem>>, vector<1x1x256x128xf32>,
    %slice3A_156 = vector.extract_strided_slice %select_n3A_126 {offsets = [1, 0], sizes = [127, 1], strides = [1, 1]} : vector<128x1xf32> to vector<127x1xf32>
    %slice3A_157 = vector.extract_strided_slice %select_n3A_126 {offsets = [0, 0], sizes = [1, 1], strides = [1, 1]} : vector<128x1xf32> to vector<1x1xf32>
    %concatenate3A_158 = tpu.concatenate %slice3A_156, %slice3A_157 in 0 : vector<127x1xf32>, vector<1x1xf32> -> vector<128x1xf32>
    %slice3A_159 = vector.extract_strided_slice %select_n3A_126 {offsets = [127, 0], sizes = [1, 1], strides = [1, 1]} : vector<128x1xf32> to vector<1x1xf32>
    %slice3A_160 = vector.extract_strided_slice %select_n3A_126 {offsets = [0, 0], sizes = [127, 1], strides = [1, 1]} : vector<128x1xf32> to vector<127x1xf32>
    %concatenate3A_161 = tpu.concatenate %slice3A_159, %slice3A_160 in 0 : vector<1x1xf32>, vector<127x1xf32> -> vector<128x1xf32>
    %select_n3A_162 = arith.select %eq3A_16, %concatenate3A_158, %concatenate3A_161 : vector<128x1xi1>, vector<128x1xf32>
    %mul3A_163 = arith.mulf %select_n3A_126, %select_n3A_20 : vector<128x1xf32>
    %concatenate3A_164 = tpu.concatenate %mul3A_163, %select_n3A_162 in 1 : vector<128x1xf32>, vector<128x1xf32> -> vector<128x2xf32>
    %dot_general3A_165 = arith.constant dense<0.000000e+00> : vector<256x2xf32>
    %dot_general3A_166 = tpu.matmul %mul3A_148, %concatenate3A_164, %dot_general3A_165 {dimension_numbers = #tpu.dot_dimension_numbers<[1], [0], [0], [1], [0, 0, 1, 1], [], []>, transpose_lhs_hint = false} : vector<256x128xf32>, vector<128x2xf32>, vector<256x2xf32> -> vector<256x2xf32>
    %swap3A_167 = arith.constant 0 : index
    %swap3A_168 = arith.constant 0 : index
    %swap3A_169 = arith.constant 0 : index
    %swap3A_170 = arith.constant 0 : index
    %swap3A_171 = vector.load %arg7[%swap3A_167, %swap3A_168, %swap3A_169, %swap3A_170] : memref<1x8x256x2xf32, #tpu.memory_space<vmem>>, vector<1x1x256x2xf32>
    %swap3A_172 = vector.shape_cast %swap3A_171 : vector<1x1x256x2xf32> to vector<256x2xf32>
    %swap3A_173 = vector.shape_cast %dot_general3A_166 : vector<256x2xf32> to vector<1x1x256x2xf32>
    tpu.vector_store %arg7[%swap3A_167, %swap3A_168, %swap3A_169, %swap3A_170], %swap3A_173 {strides = array<i32>} : memref<1x8x256x2xf32, #tpu.memory_space<vmem>>, vector<1x1x256x2xf32>,
    %get3A_174 = arith.index_cast %arg0 : i32 to index
    %get3A_175 = arith.constant 1 : index
    %get3A_176 = memref.load %arg1[%get3A_174, %get3A_175] : memref<64x8xi32, #tpu.memory_space<smem>>
    %get3A_177 = arith.index_cast %arg0 : i32 to index
    %get3A_178 = arith.constant 1 : index
    %get3A_179 = memref.load %arg2[%get3A_177, %get3A_178] : memref<64x8xf32, #tpu.memory_space<smem>>
    %jit3A_180 = arith.constant 0.000000e+00 : f32
    %jit3A_181 = arith.constant 1.000000e+00 : f32
    %max3A_182 = arith.maximumf %jit3A_180, %get3A_179 : f32
    %min3A_183 = arith.minimumf %jit3A_181, %max3A_182 : f32
    %get3A_184 = arith.constant 0 : index
    %get3A_185 = arith.constant 1 : index
    %get3A_186 = arith.constant 0 : index
    %get3A_187 = arith.constant 0 : index
    %get3A_188 = vector.load %arg3[%get3A_184, %get3A_185, %get3A_186, %get3A_187] : memref<1x8x256x128xf32, #tpu.memory_space<vmem>>, vector<1x1x256x128xf32>
    %get3A_189 = vector.shape_cast %get3A_188 : vector<1x1x256x128xf32> to vector<256x128xf32>
    %get3A_190 = arith.constant 0 : index
    %get3A_191 = arith.constant 1 : index
    %get3A_192 = arith.constant 0 : index
    %get3A_193 = arith.constant 0 : index
    %get3A_194 = vector.load %arg5[%get3A_190, %get3A_191, %get3A_192, %get3A_193] : memref<1x8x256x2xf32, #tpu.memory_space<vmem>>, vector<1x1x256x2xf32>
    %get3A_195 = vector.shape_cast %get3A_194 : vector<1x1x256x2xf32> to vector<256x2xf32>
    %dot_general3A_196 = arith.constant dense<0.000000e+00> : vector<128x2xf32>
    %dot_general3A_197 = tpu.matmul %get3A_189, %get3A_195, %dot_general3A_196 {dimension_numbers = #tpu.dot_dimension_numbers<[0], [0], [1], [1], [0, 1, 1, 1], [], []>, transpose_lhs_hint = false} : vector<256x128xf32>, vector<256x2xf32>, vector<128x2xf32> -> vector<128x2xf32>
    %slice3A_198 = vector.extract_strided_slice %dot_general3A_197 {offsets = [0, 0], sizes = [128, 1], strides = [1, 1]} : vector<128x2xf32> to vector<128x1xf32>
    %slice3A_199 = vector.extract_strided_slice %dot_general3A_197 {offsets = [0, 1], sizes = [128, 1], strides = [1, 1]} : vector<128x2xf32> to vector<128x1xf32>
    %slice3A_200 = vector.extract_strided_slice %slice3A_199 {offsets = [1, 0], sizes = [127, 1], strides = [1, 1]} : vector<128x1xf32> to vector<127x1xf32>
    %slice3A_201 = vector.extract_strided_slice %slice3A_199 {offsets = [0, 0], sizes = [1, 1], strides = [1, 1]} : vector<128x1xf32> to vector<1x1xf32>
    %concatenate3A_202 = tpu.concatenate %slice3A_200, %slice3A_201 in 0 : vector<127x1xf32>, vector<1x1xf32> -> vector<128x1xf32>
    %add3A_203 = arith.addf %slice3A_198, %concatenate3A_202 : vector<128x1xf32>
    %slice3A_204 = vector.extract_strided_slice %slice3A_199 {offsets = [127, 0], sizes = [1, 1], strides = [1, 1]} : vector<128x1xf32> to vector<1x1xf32>
    %slice3A_205 = vector.extract_strided_slice %slice3A_199 {offsets = [0, 0], sizes = [127, 1], strides = [1, 1]} : vector<128x1xf32> to vector<127x1xf32>
    %concatenate3A_206 = tpu.concatenate %slice3A_204, %slice3A_205 in 0 : vector<1x1xf32>, vector<127x1xf32> -> vector<128x1xf32>
    %sub3A_207 = arith.subf %concatenate3A_206, %slice3A_198 : vector<128x1xf32>
    %select_n3A_208 = arith.select %eq3A_16, %add3A_203, %sub3A_207 : vector<128x1xi1>, vector<128x1xf32>
    %slice3A_209 = vector.extract_strided_slice %select_n3A_208 {offsets = [1, 0], sizes = [127, 1], strides = [1, 1]} : vector<128x1xf32> to vector<127x1xf32>
    %slice3A_210 = vector.extract_strided_slice %select_n3A_208 {offsets = [0, 0], sizes = [1, 1], strides = [1, 1]} : vector<128x1xf32> to vector<1x1xf32>
    %concatenate3A_211 = tpu.concatenate %slice3A_209, %slice3A_210 in 0 : vector<127x1xf32>, vector<1x1xf32> -> vector<128x1xf32>
    %slice3A_212 = vector.extract_strided_slice %select_n3A_208 {offsets = [127, 0], sizes = [1, 1], strides = [1, 1]} : vector<128x1xf32> to vector<1x1xf32>
    %slice3A_213 = vector.extract_strided_slice %select_n3A_208 {offsets = [0, 0], sizes = [127, 1], strides = [1, 1]} : vector<128x1xf32> to vector<127x1xf32>
    %concatenate3A_214 = tpu.concatenate %slice3A_212, %slice3A_213 in 0 : vector<1x1xf32>, vector<127x1xf32> -> vector<128x1xf32>
    %select_n3A_215 = arith.select %eq3A_16, %concatenate3A_211, %concatenate3A_214 : vector<128x1xi1>, vector<128x1xf32>
    %mul3A_216 = arith.mulf %select_n3A_208, %select_n3A_20 : vector<128x1xf32>
    %concatenate3A_217 = tpu.concatenate %mul3A_216, %select_n3A_215 in 1 : vector<128x1xf32>, vector<128x1xf32> -> vector<128x2xf32>
    %dot_general3A_218 = arith.constant dense<0.000000e+00> : vector<256x2xf32>
    %dot_general3A_219 = tpu.matmul %get3A_189, %concatenate3A_217, %dot_general3A_218 {dimension_numbers = #tpu.dot_dimension_numbers<[1], [0], [0], [1], [0, 0, 1, 1], [], []>, transpose_lhs_hint = false} : vector<256x128xf32>, vector<128x2xf32>, vector<256x2xf32> -> vector<256x2xf32>
    %sub3A_220 = arith.subf %get3A_195, %dot_general3A_219 : vector<256x2xf32>
    %mul3A_221 = arith.mulf %sub3A_220, %sub3A_220 : vector<256x2xf32>
    %reduce_sum3A_222 = vector.shape_cast %mul3A_221 : vector<256x2xf32> to vector<1x256x2xf32>
    %reduce_sum3A_223 = arith.constant dense<0.000000e+00> : vector<1xf32>
    %reduce_sum3A_224 = vector.multi_reduction <add>, %reduce_sum3A_222, %reduce_sum3A_223 [1, 2] : vector<1x256x2xf32> to vector<1xf32>
    %reduce_sum3A_225 = vector.shape_cast %reduce_sum3A_224 : vector<1xf32> to vector<1x1x1xf32>
    %reduce_sum3A_226 = vector.extract %reduce_sum3A_225[0, 0, 0] : f32 from vector<1x1x1xf32>
    %max3A_227 = arith.constant 9.99999996E-13 : f32
    %max3A_228 = arith.maximumf %reduce_sum3A_226, %max3A_227 : f32
    %sqrt3A_229 = math.sqrt %max3A_228 : f32
    %div3A_230 = vector.broadcast %sqrt3A_229 : f32 to vector<256x2xf32>
    %div3A_231 = arith.divf %sub3A_220, %div3A_230 : vector<256x2xf32>
    %mul3A_232 = arith.constant 2 : i32
    %mul3A_233 = arith.muli %mul3A_232, %get3A_176 : i32
    %eq3A_234 = vector.broadcast %mul3A_233 : i32 to vector<256x128xi32>
    %eq3A_235 = arith.cmpi eq, %iota3A_21, %eq3A_234 : vector<256x128xi32>
    %mul3A_236 = arith.constant 2 : i32
    %mul3A_237 = arith.muli %mul3A_236, %get3A_176 : i32
    %add3A_238 = arith.constant 1 : i32
    %add3A_239 = arith.addi %mul3A_237, %add3A_238 : i32
    %eq3A_240 = vector.broadcast %add3A_239 : i32 to vector<256x128xi32>
    %eq3A_241 = arith.cmpi eq, %iota3A_21, %eq3A_240 : vector<256x128xi32>
    %slice3A_242 = vector.extract_strided_slice %div3A_231 {offsets = [0, 0], sizes = [256, 1], strides = [1, 1]} : vector<256x2xf32> to vector<256x1xf32>
    %slice3A_243 = vector.extract_strided_slice %div3A_231 {offsets = [0, 1], sizes = [256, 1], strides = [1, 1]} : vector<256x2xf32> to vector<256x1xf32>
    %broadcast_in_dim3A_244 = vector.shape_cast %slice3A_243 : vector<256x1xf32> to vector<256x1xf32>
    %broadcast_in_dim3A_245 = vector.broadcast %broadcast_in_dim3A_244 : vector<256x1xf32> to vector<256x128xf32>
    %select_n3A_246 = arith.select %eq3A_241, %broadcast_in_dim3A_245, %get3A_189 : vector<256x128xi1>, vector<256x128xf32>
    %broadcast_in_dim3A_247 = vector.shape_cast %slice3A_242 : vector<256x1xf32> to vector<256x1xf32>
    %broadcast_in_dim3A_248 = vector.broadcast %broadcast_in_dim3A_247 : vector<256x1xf32> to vector<256x128xf32>
    %select_n3A_249 = arith.select %eq3A_235, %broadcast_in_dim3A_248, %select_n3A_246 : vector<256x128xi1>, vector<256x128xf32>
    %swap3A_250 = arith.constant 0 : index
    %swap3A_251 = arith.constant 1 : index
    %swap3A_252 = arith.constant 0 : index
    %swap3A_253 = arith.constant 0 : index
    %swap3A_254 = vector.load %arg8[%swap3A_250, %swap3A_251, %swap3A_252, %swap3A_253] : memref<1x8x256x128xf32, #tpu.memory_space<vmem>>, vector<1x1x256x128xf32>
    %swap3A_255 = vector.shape_cast %swap3A_254 : vector<1x1x256x128xf32> to vector<256x128xf32>
    %swap3A_256 = vector.shape_cast %select_n3A_249 : vector<256x128xf32> to vector<1x1x256x128xf32>
    tpu.vector_store %arg8[%swap3A_250, %swap3A_251, %swap3A_252, %swap3A_253], %swap3A_256 {strides = array<i32>} : memref<1x8x256x128xf32, #tpu.memory_space<vmem>>, vector<1x1x256x128xf32>,
    %slice3A_257 = vector.extract_strided_slice %div3A_231 {offsets = [0, 0], sizes = [256, 1], strides = [1, 1]} : vector<256x2xf32> to vector<256x1xf32>
    %slice3A_258 = vector.extract_strided_slice %div3A_231 {offsets = [0, 1], sizes = [256, 1], strides = [1, 1]} : vector<256x2xf32> to vector<256x1xf32>
    %slice3A_259 = vector.extract_strided_slice %get3A_195 {offsets = [0, 0], sizes = [256, 1], strides = [1, 1]} : vector<256x2xf32> to vector<256x1xf32>
    %slice3A_260 = vector.extract_strided_slice %get3A_195 {offsets = [0, 1], sizes = [256, 1], strides = [1, 1]} : vector<256x2xf32> to vector<256x1xf32>
    %mul3A_261 = arith.mulf %slice3A_257, %slice3A_259 : vector<256x1xf32>
    %mul3A_262 = arith.mulf %slice3A_258, %slice3A_260 : vector<256x1xf32>
    %add3A_263 = arith.addf %mul3A_261, %mul3A_262 : vector<256x1xf32>
    %reduce_sum3A_264 = vector.shape_cast %add3A_263 : vector<256x1xf32> to vector<1x256x1xf32>
    %reduce_sum3A_265 = arith.constant dense<0.000000e+00> : vector<1xf32>
    %reduce_sum3A_266 = vector.multi_reduction <add>, %reduce_sum3A_264, %reduce_sum3A_265 [1, 2] : vector<1x256x1xf32> to vector<1xf32>
    %reduce_sum3A_267 = vector.shape_cast %reduce_sum3A_266 : vector<1xf32> to vector<1x1x1xf32>
    %reduce_sum3A_268 = vector.extract %reduce_sum3A_267[0, 0, 0] : f32 from vector<1x1x1xf32>
    %mul3A_269 = arith.mulf %slice3A_257, %slice3A_260 : vector<256x1xf32>
    %mul3A_270 = arith.mulf %slice3A_258, %slice3A_259 : vector<256x1xf32>
    %sub3A_271 = arith.subf %mul3A_269, %mul3A_270 : vector<256x1xf32>
    %reduce_sum3A_272 = vector.shape_cast %sub3A_271 : vector<256x1xf32> to vector<1x256x1xf32>
    %reduce_sum3A_273 = arith.constant dense<0.000000e+00> : vector<1xf32>
    %reduce_sum3A_274 = vector.multi_reduction <add>, %reduce_sum3A_272, %reduce_sum3A_273 [1, 2] : vector<1x256x1xf32> to vector<1xf32>
    %reduce_sum3A_275 = vector.shape_cast %reduce_sum3A_274 : vector<1xf32> to vector<1x1x1xf32>
    %reduce_sum3A_276 = vector.extract %reduce_sum3A_275[0, 0, 0] : f32 from vector<1x1x1xf32>
    %mul3A_277 = arith.constant 2 : i32
    %mul3A_278 = arith.muli %mul3A_277, %get3A_176 : i32
    %eq3A_279 = vector.broadcast %mul3A_278 : i32 to vector<128x1xi32>
    %eq3A_280 = arith.cmpi eq, %iota3A, %eq3A_279 : vector<128x1xi32>
    %mul3A_281 = arith.constant 2 : i32
    %mul3A_282 = arith.muli %mul3A_281, %get3A_176 : i32
    %add3A_283 = arith.constant 1 : i32
    %add3A_284 = arith.addi %mul3A_282, %add3A_283 : i32
    %eq3A_285 = vector.broadcast %add3A_284 : i32 to vector<128x1xi32>
    %eq3A_286 = arith.cmpi eq, %iota3A, %eq3A_285 : vector<128x1xi32>
    %broadcast_in_dim3A_287 = vector.broadcast %reduce_sum3A_276 : f32 to vector<128x1xf32>
    %select_n3A_288 = arith.select %eq3A_286, %broadcast_in_dim3A_287, %select_n3A_208 : vector<128x1xi1>, vector<128x1xf32>
    %broadcast_in_dim3A_289 = vector.broadcast %reduce_sum3A_268 : f32 to vector<128x1xf32>
    %select_n3A_290 = arith.select %eq3A_280, %broadcast_in_dim3A_289, %select_n3A_288 : vector<128x1xi1>, vector<128x1xf32>
    %get3A_291 = arith.constant 0 : index
    %get3A_292 = arith.constant 1 : index
    %get3A_293 = arith.constant 0 : index
    %get3A_294 = arith.constant 0 : index
    %get3A_295 = vector.load %arg4[%get3A_291, %get3A_292, %get3A_293, %get3A_294] : memref<1x8x256x128xf32, #tpu.memory_space<vmem>>, vector<1x1x256x128xf32>
    %get3A_296 = vector.shape_cast %get3A_295 : vector<1x1x256x128xf32> to vector<256x128xf32>
    %get3A_297 = arith.constant 0 : index
    %get3A_298 = arith.constant 1 : index
    %get3A_299 = arith.constant 0 : index
    %get3A_300 = arith.constant 0 : index
    %get3A_301 = vector.load %arg6[%get3A_297, %get3A_298, %get3A_299, %get3A_300] : memref<1x8x256x2xf32, #tpu.memory_space<vmem>>, vector<1x1x256x2xf32>
    %get3A_302 = vector.shape_cast %get3A_301 : vector<1x1x256x2xf32> to vector<256x2xf32>
    %slice3A_303 = vector.extract_strided_slice %get3A_302 {offsets = [0, 0], sizes = [256, 1], strides = [1, 1]} : vector<256x2xf32> to vector<256x1xf32>
    %slice3A_304 = vector.extract_strided_slice %get3A_302 {offsets = [0, 1], sizes = [256, 1], strides = [1, 1]} : vector<256x2xf32> to vector<256x1xf32>
    %broadcast_in_dim3A_305 = vector.shape_cast %slice3A_304 : vector<256x1xf32> to vector<256x1xf32>
    %broadcast_in_dim3A_306 = vector.broadcast %broadcast_in_dim3A_305 : vector<256x1xf32> to vector<256x128xf32>
    %select_n3A_307 = arith.select %eq3A_241, %broadcast_in_dim3A_306, %get3A_296 : vector<256x128xi1>, vector<256x128xf32>
    %broadcast_in_dim3A_308 = vector.shape_cast %slice3A_303 : vector<256x1xf32> to vector<256x1xf32>
    %broadcast_in_dim3A_309 = vector.broadcast %broadcast_in_dim3A_308 : vector<256x1xf32> to vector<256x128xf32>
    %select_n3A_310 = arith.select %eq3A_235, %broadcast_in_dim3A_309, %select_n3A_307 : vector<256x128xi1>, vector<256x128xf32>
    %mul3A_311 = vector.broadcast %min3A_183 : f32 to vector<256x128xf32>
    %mul3A_312 = arith.mulf %mul3A_311, %select_n3A_310 : vector<256x128xf32>
    %swap3A_313 = arith.constant 0 : index
    %swap3A_314 = arith.constant 1 : index
    %swap3A_315 = arith.constant 0 : index
    %swap3A_316 = arith.constant 0 : index
    %swap3A_317 = vector.load %arg9[%swap3A_313, %swap3A_314, %swap3A_315, %swap3A_316] : memref<1x8x256x128xf32, #tpu.memory_space<vmem>>, vector<1x1x256x128xf32>
    %swap3A_318 = vector.shape_cast %swap3A_317 : vector<1x1x256x128xf32> to vector<256x128xf32>
    %swap3A_319 = vector.shape_cast %mul3A_312 : vector<256x128xf32> to vector<1x1x256x128xf32>
    tpu.vector_store %arg9[%swap3A_313, %swap3A_314, %swap3A_315, %swap3A_316], %swap3A_319 {strides = array<i32>} : memref<1x8x256x128xf32, #tpu.memory_space<vmem>>, vector<1x1x256x128xf32>,
    %slice3A_320 = vector.extract_strided_slice %select_n3A_290 {offsets = [1, 0], sizes = [127, 1], strides = [1, 1]} : vector<128x1xf32> to vector<127x1xf32>
    %slice3A_321 = vector.extract_strided_slice %select_n3A_290 {offsets = [0, 0], sizes = [1, 1], strides = [1, 1]} : vector<128x1xf32> to vector<1x1xf32>
    %concatenate3A_322 = tpu.concatenate %slice3A_320, %slice3A_321 in 0 : vector<127x1xf32>, vector<1x1xf32> -> vector<128x1xf32>
    %slice3A_323 = vector.extract_strided_slice %select_n3A_290 {offsets = [127, 0], sizes = [1, 1], strides = [1, 1]} : vector<128x1xf32> to vector<1x1xf32>
    %slice3A_324 = vector.extract_strided_slice %select_n3A_290 {offsets = [0, 0], sizes = [127, 1], strides = [1, 1]} : vector<128x1xf32> to vector<127x1xf32>
    %concatenate3A_325 = tpu.concatenate %slice3A_323, %slice3A_324 in 0 : vector<1x1xf32>, vector<127x1xf32> -> vector<128x1xf32>
    %select_n3A_326 = arith.select %eq3A_16, %concatenate3A_322, %concatenate3A_325 : vector<128x1xi1>, vector<128x1xf32>
    %mul3A_327 = arith.mulf %select_n3A_290, %select_n3A_20 : vector<128x1xf32>
    %concatenate3A_328 = tpu.concatenate %mul3A_327, %select_n3A_326 in 1 : vector<128x1xf32>, vector<128x1xf32> -> vector<128x2xf32>
    %dot_general3A_329 = arith.constant dense<0.000000e+00> : vector<256x2xf32>
    %dot_general3A_330 = tpu.matmul %mul3A_312, %concatenate3A_328, %dot_general3A_329 {dimension_numbers = #tpu.dot_dimension_numbers<[1], [0], [0], [1], [0, 0, 1, 1], [], []>, transpose_lhs_hint = false} : vector<256x128xf32>, vector<128x2xf32>, vector<256x2xf32> -> vector<256x2xf32>
    %swap3A_331 = arith.constant 0 : index
    %swap3A_332 = arith.constant 1 : index
    %swap3A_333 = arith.constant 0 : index
    %swap3A_334 = arith.constant 0 : index
    %swap3A_335 = vector.load %arg7[%swap3A_331, %swap3A_332, %swap3A_333, %swap3A_334] : memref<1x8x256x2xf32, #tpu.memory_space<vmem>>, vector<1x1x256x2xf32>
    %swap3A_336 = vector.shape_cast %swap3A_335 : vector<1x1x256x2xf32> to vector<256x2xf32>
    %swap3A_337 = vector.shape_cast %dot_general3A_330 : vector<256x2xf32> to vector<1x1x256x2xf32>
    tpu.vector_store %arg7[%swap3A_331, %swap3A_332, %swap3A_333, %swap3A_334], %swap3A_337 {strides = array<i32>} : memref<1x8x256x2xf32, #tpu.memory_space<vmem>>, vector<1x1x256x2xf32>,
    %get3A_338 = arith.index_cast %arg0 : i32 to index
    %get3A_339 = arith.constant 2 : index
    %get3A_340 = memref.load %arg1[%get3A_338, %get3A_339] : memref<64x8xi32, #tpu.memory_space<smem>>
    %get3A_341 = arith.index_cast %arg0 : i32 to index
    %get3A_342 = arith.constant 2 : index
    %get3A_343 = memref.load %arg2[%get3A_341, %get3A_342] : memref<64x8xf32, #tpu.memory_space<smem>>
    %jit3A_344 = arith.constant 0.000000e+00 : f32
    %jit3A_345 = arith.constant 1.000000e+00 : f32
    %max3A_346 = arith.maximumf %jit3A_344, %get3A_343 : f32
    %min3A_347 = arith.minimumf %jit3A_345, %max3A_346 : f32
    %get3A_348 = arith.constant 0 : index
    %get3A_349 = arith.constant 2 : index
    %get3A_350 = arith.constant 0 : index
    %get3A_351 = arith.constant 0 : index
    %get3A_352 = vector.load %arg3[%get3A_348, %get3A_349, %get3A_350, %get3A_351] : memref<1x8x256x128xf32, #tpu.memory_space<vmem>>, vector<1x1x256x128xf32>
    %get3A_353 = vector.shape_cast %get3A_352 : vector<1x1x256x128xf32> to vector<256x128xf32>
    %get3A_354 = arith.constant 0 : index
    %get3A_355 = arith.constant 2 : index
    %get3A_356 = arith.constant 0 : index
    %get3A_357 = arith.constant 0 : index
    %get3A_358 = vector.load %arg5[%get3A_354, %get3A_355, %get3A_356, %get3A_357] : memref<1x8x256x2xf32, #tpu.memory_space<vmem>>, vector<1x1x256x2xf32>
    %get3A_359 = vector.shape_cast %get3A_358 : vector<1x1x256x2xf32> to vector<256x2xf32>
    %dot_general3A_360 = arith.constant dense<0.000000e+00> : vector<128x2xf32>
    %dot_general3A_361 = tpu.matmul %get3A_353, %get3A_359, %dot_general3A_360 {dimension_numbers = #tpu.dot_dimension_numbers<[0], [0], [1], [1], [0, 1, 1, 1], [], []>, transpose_lhs_hint = false} : vector<256x128xf32>, vector<256x2xf32>, vector<128x2xf32> -> vector<128x2xf32>
    %slice3A_362 = vector.extract_strided_slice %dot_general3A_361 {offsets = [0, 0], sizes = [128, 1], strides = [1, 1]} : vector<128x2xf32> to vector<128x1xf32>
    %slice3A_363 = vector.extract_strided_slice %dot_general3A_361 {offsets = [0, 1], sizes = [128, 1], strides = [1, 1]} : vector<128x2xf32> to vector<128x1xf32>
    %slice3A_364 = vector.extract_strided_slice %slice3A_363 {offsets = [1, 0], sizes = [127, 1], strides = [1, 1]} : vector<128x1xf32> to vector<127x1xf32>
    %slice3A_365 = vector.extract_strided_slice %slice3A_363 {offsets = [0, 0], sizes = [1, 1], strides = [1, 1]} : vector<128x1xf32> to vector<1x1xf32>
    %concatenate3A_366 = tpu.concatenate %slice3A_364, %slice3A_365 in 0 : vector<127x1xf32>, vector<1x1xf32> -> vector<128x1xf32>
    %add3A_367 = arith.addf %slice3A_362, %concatenate3A_366 : vector<128x1xf32>
    %slice3A_368 = vector.extract_strided_slice %slice3A_363 {offsets = [127, 0], sizes = [1, 1], strides = [1, 1]} : vector<128x1xf32> to vector<1x1xf32>
    %slice3A_369 = vector.extract_strided_slice %slice3A_363 {offsets = [0, 0], sizes = [127, 1], strides = [1, 1]} : vector<128x1xf32> to vector<127x1xf32>
    %concatenate3A_370 = tpu.concatenate %slice3A_368, %slice3A_369 in 0 : vector<1x1xf32>, vector<127x1xf32> -> vector<128x1xf32>
    %sub3A_371 = arith.subf %concatenate3A_370, %slice3A_362 : vector<128x1xf32>
    %select_n3A_372 = arith.select %eq3A_16, %add3A_367, %sub3A_371 : vector<128x1xi1>, vector<128x1xf32>
    %slice3A_373 = vector.extract_strided_slice %select_n3A_372 {offsets = [1, 0], sizes = [127, 1], strides = [1, 1]} : vector<128x1xf32> to vector<127x1xf32>
    %slice3A_374 = vector.extract_strided_slice %select_n3A_372 {offsets = [0, 0], sizes = [1, 1], strides = [1, 1]} : vector<128x1xf32> to vector<1x1xf32>
    %concatenate3A_375 = tpu.concatenate %slice3A_373, %slice3A_374 in 0 : vector<127x1xf32>, vector<1x1xf32> -> vector<128x1xf32>
    %slice3A_376 = vector.extract_strided_slice %select_n3A_372 {offsets = [127, 0], sizes = [1, 1], strides = [1, 1]} : vector<128x1xf32> to vector<1x1xf32>
    %slice3A_377 = vector.extract_strided_slice %select_n3A_372 {offsets = [0, 0], sizes = [127, 1], strides = [1, 1]} : vector<128x1xf32> to vector<127x1xf32>
    %concatenate3A_378 = tpu.concatenate %slice3A_376, %slice3A_377 in 0 : vector<1x1xf32>, vector<127x1xf32> -> vector<128x1xf32>
    %select_n3A_379 = arith.select %eq3A_16, %concatenate3A_375, %concatenate3A_378 : vector<128x1xi1>, vector<128x1xf32>
    %mul3A_380 = arith.mulf %select_n3A_372, %select_n3A_20 : vector<128x1xf32>
    %concatenate3A_381 = tpu.concatenate %mul3A_380, %select_n3A_379 in 1 : vector<128x1xf32>, vector<128x1xf32> -> vector<128x2xf32>
    %dot_general3A_382 = arith.constant dense<0.000000e+00> : vector<256x2xf32>
    %dot_general3A_383 = tpu.matmul %get3A_353, %concatenate3A_381, %dot_general3A_382 {dimension_numbers = #tpu.dot_dimension_numbers<[1], [0], [0], [1], [0, 0, 1, 1], [], []>, transpose_lhs_hint = false} : vector<256x128xf32>, vector<128x2xf32>, vector<256x2xf32> -> vector<256x2xf32>
    %sub3A_384 = arith.subf %get3A_359, %dot_general3A_383 : vector<256x2xf32>
    %mul3A_385 = arith.mulf %sub3A_384, %sub3A_384 : vector<256x2xf32>
    %reduce_sum3A_386 = vector.shape_cast %mul3A_385 : vector<256x2xf32> to vector<1x256x2xf32>
    %reduce_sum3A_387 = arith.constant dense<0.000000e+00> : vector<1xf32>
    %reduce_sum3A_388 = vector.multi_reduction <add>, %reduce_sum3A_386, %reduce_sum3A_387 [1, 2] : vector<1x256x2xf32> to vector<1xf32>
    %reduce_sum3A_389 = vector.shape_cast %reduce_sum3A_388 : vector<1xf32> to vector<1x1x1xf32>
    %reduce_sum3A_390 = vector.extract %reduce_sum3A_389[0, 0, 0] : f32 from vector<1x1x1xf32>
    %max3A_391 = arith.constant 9.99999996E-13 : f32
    %max3A_392 = arith.maximumf %reduce_sum3A_390, %max3A_391 : f32
    %sqrt3A_393 = math.sqrt %max3A_392 : f32
    %div3A_394 = vector.broadcast %sqrt3A_393 : f32 to vector<256x2xf32>
    %div3A_395 = arith.divf %sub3A_384, %div3A_394 : vector<256x2xf32>
    %mul3A_396 = arith.constant 2 : i32
    %mul3A_397 = arith.muli %mul3A_396, %get3A_340 : i32
    %eq3A_398 = vector.broadcast %mul3A_397 : i32 to vector<256x128xi32>
    %eq3A_399 = arith.cmpi eq, %iota3A_21, %eq3A_398 : vector<256x128xi32>
    %mul3A_400 = arith.constant 2 : i32
    %mul3A_401 = arith.muli %mul3A_400, %get3A_340 : i32
    %add3A_402 = arith.constant 1 : i32
    %add3A_403 = arith.addi %mul3A_401, %add3A_402 : i32
    %eq3A_404 = vector.broadcast %add3A_403 : i32 to vector<256x128xi32>
    %eq3A_405 = arith.cmpi eq, %iota3A_21, %eq3A_404 : vector<256x128xi32>
    %slice3A_406 = vector.extract_strided_slice %div3A_395 {offsets = [0, 0], sizes = [256, 1], strides = [1, 1]} : vector<256x2xf32> to vector<256x1xf32>
    %slice3A_407 = vector.extract_strided_slice %div3A_395 {offsets = [0, 1], sizes = [256, 1], strides = [1, 1]} : vector<256x2xf32> to vector<256x1xf32>
    %broadcast_in_dim3A_408 = vector.shape_cast %slice3A_407 : vector<256x1xf32> to vector<256x1xf32>
    %broadcast_in_dim3A_409 = vector.broadcast %broadcast_in_dim3A_408 : vector<256x1xf32> to vector<256x128xf32>
    %select_n3A_410 = arith.select %eq3A_405, %broadcast_in_dim3A_409, %get3A_353 : vector<256x128xi1>, vector<256x128xf32>
    %broadcast_in_dim3A_411 = vector.shape_cast %slice3A_406 : vector<256x1xf32> to vector<256x1xf32>
    %broadcast_in_dim3A_412 = vector.broadcast %broadcast_in_dim3A_411 : vector<256x1xf32> to vector<256x128xf32>
    %select_n3A_413 = arith.select %eq3A_399, %broadcast_in_dim3A_412, %select_n3A_410 : vector<256x128xi1>, vector<256x128xf32>
    %swap3A_414 = arith.constant 0 : index
    %swap3A_415 = arith.constant 2 : index
    %swap3A_416 = arith.constant 0 : index
    %swap3A_417 = arith.constant 0 : index
    %swap3A_418 = vector.load %arg8[%swap3A_414, %swap3A_415, %swap3A_416, %swap3A_417] : memref<1x8x256x128xf32, #tpu.memory_space<vmem>>, vector<1x1x256x128xf32>
    %swap3A_419 = vector.shape_cast %swap3A_418 : vector<1x1x256x128xf32> to vector<256x128xf32>
    %swap3A_420 = vector.shape_cast %select_n3A_413 : vector<256x128xf32> to vector<1x1x256x128xf32>
    tpu.vector_store %arg8[%swap3A_414, %swap3A_415, %swap3A_416, %swap3A_417], %swap3A_420 {strides = array<i32>} : memref<1x8x256x128xf32, #tpu.memory_space<vmem>>, vector<1x1x256x128xf32>,
    %slice3A_421 = vector.extract_strided_slice %div3A_395 {offsets = [0, 0], sizes = [256, 1], strides = [1, 1]} : vector<256x2xf32> to vector<256x1xf32>
    %slice3A_422 = vector.extract_strided_slice %div3A_395 {offsets = [0, 1], sizes = [256, 1], strides = [1, 1]} : vector<256x2xf32> to vector<256x1xf32>
    %slice3A_423 = vector.extract_strided_slice %get3A_359 {offsets = [0, 0], sizes = [256, 1], strides = [1, 1]} : vector<256x2xf32> to vector<256x1xf32>
    %slice3A_424 = vector.extract_strided_slice %get3A_359 {offsets = [0, 1], sizes = [256, 1], strides = [1, 1]} : vector<256x2xf32> to vector<256x1xf32>
    %mul3A_425 = arith.mulf %slice3A_421, %slice3A_423 : vector<256x1xf32>
    %mul3A_426 = arith.mulf %slice3A_422, %slice3A_424 : vector<256x1xf32>
    %add3A_427 = arith.addf %mul3A_425, %mul3A_426 : vector<256x1xf32>
    %reduce_sum3A_428 = vector.shape_cast %add3A_427 : vector<256x1xf32> to vector<1x256x1xf32>
    %reduce_sum3A_429 = arith.constant dense<0.000000e+00> : vector<1xf32>
    %reduce_sum3A_430 = vector.multi_reduction <add>, %reduce_sum3A_428, %reduce_sum3A_429 [1, 2] : vector<1x256x1xf32> to vector<1xf32>
    %reduce_sum3A_431 = vector.shape_cast %reduce_sum3A_430 : vector<1xf32> to vector<1x1x1xf32>
    %reduce_sum3A_432 = vector.extract %reduce_sum3A_431[0, 0, 0] : f32 from vector<1x1x1xf32>
    %mul3A_433 = arith.mulf %slice3A_421, %slice3A_424 : vector<256x1xf32>
    %mul3A_434 = arith.mulf %slice3A_422, %slice3A_423 : vector<256x1xf32>
    %sub3A_435 = arith.subf %mul3A_433, %mul3A_434 : vector<256x1xf32>
    %reduce_sum3A_436 = vector.shape_cast %sub3A_435 : vector<256x1xf32> to vector<1x256x1xf32>
    %reduce_sum3A_437 = arith.constant dense<0.000000e+00> : vector<1xf32>
    %reduce_sum3A_438 = vector.multi_reduction <add>, %reduce_sum3A_436, %reduce_sum3A_437 [1, 2] : vector<1x256x1xf32> to vector<1xf32>
    %reduce_sum3A_439 = vector.shape_cast %reduce_sum3A_438 : vector<1xf32> to vector<1x1x1xf32>
    %reduce_sum3A_440 = vector.extract %reduce_sum3A_439[0, 0, 0] : f32 from vector<1x1x1xf32>
    %mul3A_441 = arith.constant 2 : i32
    %mul3A_442 = arith.muli %mul3A_441, %get3A_340 : i32
    %eq3A_443 = vector.broadcast %mul3A_442 : i32 to vector<128x1xi32>
    %eq3A_444 = arith.cmpi eq, %iota3A, %eq3A_443 : vector<128x1xi32>
    %mul3A_445 = arith.constant 2 : i32
    %mul3A_446 = arith.muli %mul3A_445, %get3A_340 : i32
    %add3A_447 = arith.constant 1 : i32
    %add3A_448 = arith.addi %mul3A_446, %add3A_447 : i32
    %eq3A_449 = vector.broadcast %add3A_448 : i32 to vector<128x1xi32>
    %eq3A_450 = arith.cmpi eq, %iota3A, %eq3A_449 : vector<128x1xi32>
    %broadcast_in_dim3A_451 = vector.broadcast %reduce_sum3A_440 : f32 to vector<128x1xf32>
    %select_n3A_452 = arith.select %eq3A_450, %broadcast_in_dim3A_451, %select_n3A_372 : vector<128x1xi1>, vector<128x1xf32>
    %broadcast_in_dim3A_453 = vector.broadcast %reduce_sum3A_432 : f32 to vector<128x1xf32>
    %select_n3A_454 = arith.select %eq3A_444, %broadcast_in_dim3A_453, %select_n3A_452 : vector<128x1xi1>, vector<128x1xf32>
    %get3A_455 = arith.constant 0 : index
    %get3A_456 = arith.constant 2 : index
    %get3A_457 = arith.constant 0 : index
    %get3A_458 = arith.constant 0 : index
    %get3A_459 = vector.load %arg4[%get3A_455, %get3A_456, %get3A_457, %get3A_458] : memref<1x8x256x128xf32, #tpu.memory_space<vmem>>, vector<1x1x256x128xf32>
    %get3A_460 = vector.shape_cast %get3A_459 : vector<1x1x256x128xf32> to vector<256x128xf32>
    %get3A_461 = arith.constant 0 : index
    %get3A_462 = arith.constant 2 : index
    %get3A_463 = arith.constant 0 : index
    %get3A_464 = arith.constant 0 : index
    %get3A_465 = vector.load %arg6[%get3A_461, %get3A_462, %get3A_463, %get3A_464] : memref<1x8x256x2xf32, #tpu.memory_space<vmem>>, vector<1x1x256x2xf32>
    %get3A_466 = vector.shape_cast %get3A_465 : vector<1x1x256x2xf32> to vector<256x2xf32>
    %slice3A_467 = vector.extract_strided_slice %get3A_466 {offsets = [0, 0], sizes = [256, 1], strides = [1, 1]} : vector<256x2xf32> to vector<256x1xf32>
    %slice3A_468 = vector.extract_strided_slice %get3A_466 {offsets = [0, 1], sizes = [256, 1], strides = [1, 1]} : vector<256x2xf32> to vector<256x1xf32>
    %broadcast_in_dim3A_469 = vector.shape_cast %slice3A_468 : vector<256x1xf32> to vector<256x1xf32>
    %broadcast_in_dim3A_470 = vector.broadcast %broadcast_in_dim3A_469 : vector<256x1xf32> to vector<256x128xf32>
    %select_n3A_471 = arith.select %eq3A_405, %broadcast_in_dim3A_470, %get3A_460 : vector<256x128xi1>, vector<256x128xf32>
    %broadcast_in_dim3A_472 = vector.shape_cast %slice3A_467 : vector<256x1xf32> to vector<256x1xf32>
    %broadcast_in_dim3A_473 = vector.broadcast %broadcast_in_dim3A_472 : vector<256x1xf32> to vector<256x128xf32>
    %select_n3A_474 = arith.select %eq3A_399, %broadcast_in_dim3A_473, %select_n3A_471 : vector<256x128xi1>, vector<256x128xf32>
    %mul3A_475 = vector.broadcast %min3A_347 : f32 to vector<256x128xf32>
    %mul3A_476 = arith.mulf %mul3A_475, %select_n3A_474 : vector<256x128xf32>
    %swap3A_477 = arith.constant 0 : index
    %swap3A_478 = arith.constant 2 : index
    %swap3A_479 = arith.constant 0 : index
    %swap3A_480 = arith.constant 0 : index
    %swap3A_481 = vector.load %arg9[%swap3A_477, %swap3A_478, %swap3A_479, %swap3A_480] : memref<1x8x256x128xf32, #tpu.memory_space<vmem>>, vector<1x1x256x128xf32>
    %swap3A_482 = vector.shape_cast %swap3A_481 : vector<1x1x256x128xf32> to vector<256x128xf32>
    %swap3A_483 = vector.shape_cast %mul3A_476 : vector<256x128xf32> to vector<1x1x256x128xf32>
    tpu.vector_store %arg9[%swap3A_477, %swap3A_478, %swap3A_479, %swap3A_480], %swap3A_483 {strides = array<i32>} : memref<1x8x256x128xf32, #tpu.memory_space<vmem>>, vector<1x1x256x128xf32>,
    %slice3A_484 = vector.extract_strided_slice %select_n3A_454 {offsets = [1, 0], sizes = [127, 1], strides = [1, 1]} : vector<128x1xf32> to vector<127x1xf32>
    %slice3A_485 = vector.extract_strided_slice %select_n3A_454 {offsets = [0, 0], sizes = [1, 1], strides = [1, 1]} : vector<128x1xf32> to vector<1x1xf32>
    %concatenate3A_486 = tpu.concatenate %slice3A_484, %slice3A_485 in 0 : vector<127x1xf32>, vector<1x1xf32> -> vector<128x1xf32>
    %slice3A_487 = vector.extract_strided_slice %select_n3A_454 {offsets = [127, 0], sizes = [1, 1], strides = [1, 1]} : vector<128x1xf32> to vector<1x1xf32>
    %slice3A_488 = vector.extract_strided_slice %select_n3A_454 {offsets = [0, 0], sizes = [127, 1], strides = [1, 1]} : vector<128x1xf32> to vector<127x1xf32>
    %concatenate3A_489 = tpu.concatenate %slice3A_487, %slice3A_488 in 0 : vector<1x1xf32>, vector<127x1xf32> -> vector<128x1xf32>
    %select_n3A_490 = arith.select %eq3A_16, %concatenate3A_486, %concatenate3A_489 : vector<128x1xi1>, vector<128x1xf32>
    %mul3A_491 = arith.mulf %select_n3A_454, %select_n3A_20 : vector<128x1xf32>
    %concatenate3A_492 = tpu.concatenate %mul3A_491, %select_n3A_490 in 1 : vector<128x1xf32>, vector<128x1xf32> -> vector<128x2xf32>
    %dot_general3A_493 = arith.constant dense<0.000000e+00> : vector<256x2xf32>
    %dot_general3A_494 = tpu.matmul %mul3A_476, %concatenate3A_492, %dot_general3A_493 {dimension_numbers = #tpu.dot_dimension_numbers<[1], [0], [0], [1], [0, 0, 1, 1], [], []>, transpose_lhs_hint = false} : vector<256x128xf32>, vector<128x2xf32>, vector<256x2xf32> -> vector<256x2xf32>
    %swap3A_495 = arith.constant 0 : index
    %swap3A_496 = arith.constant 2 : index
    %swap3A_497 = arith.constant 0 : index
    %swap3A_498 = arith.constant 0 : index
    %swap3A_499 = vector.load %arg7[%swap3A_495, %swap3A_496, %swap3A_497, %swap3A_498] : memref<1x8x256x2xf32, #tpu.memory_space<vmem>>, vector<1x1x256x2xf32>
    %swap3A_500 = vector.shape_cast %swap3A_499 : vector<1x1x256x2xf32> to vector<256x2xf32>
    %swap3A_501 = vector.shape_cast %dot_general3A_494 : vector<256x2xf32> to vector<1x1x256x2xf32>
    tpu.vector_store %arg7[%swap3A_495, %swap3A_496, %swap3A_497, %swap3A_498], %swap3A_501 {strides = array<i32>} : memref<1x8x256x2xf32, #tpu.memory_space<vmem>>, vector<1x1x256x2xf32>,
    %get3A_502 = arith.index_cast %arg0 : i32 to index
    %get3A_503 = arith.constant 3 : index
    %get3A_504 = memref.load %arg1[%get3A_502, %get3A_503] : memref<64x8xi32, #tpu.memory_space<smem>>
    %get3A_505 = arith.index_cast %arg0 : i32 to index
    %get3A_506 = arith.constant 3 : index
    %get3A_507 = memref.load %arg2[%get3A_505, %get3A_506] : memref<64x8xf32, #tpu.memory_space<smem>>
    %jit3A_508 = arith.constant 0.000000e+00 : f32
    %jit3A_509 = arith.constant 1.000000e+00 : f32
    %max3A_510 = arith.maximumf %jit3A_508, %get3A_507 : f32
    %min3A_511 = arith.minimumf %jit3A_509, %max3A_510 : f32
    %get3A_512 = arith.constant 0 : index
    %get3A_513 = arith.constant 3 : index
    %get3A_514 = arith.constant 0 : index
    %get3A_515 = arith.constant 0 : index
    %get3A_516 = vector.load %arg3[%get3A_512, %get3A_513, %get3A_514, %get3A_515] : memref<1x8x256x128xf32, #tpu.memory_space<vmem>>, vector<1x1x256x128xf32>
    %get3A_517 = vector.shape_cast %get3A_516 : vector<1x1x256x128xf32> to vector<256x128xf32>
    %get3A_518 = arith.constant 0 : index
    %get3A_519 = arith.constant 3 : index
    %get3A_520 = arith.constant 0 : index
    %get3A_521 = arith.constant 0 : index
    %get3A_522 = vector.load %arg5[%get3A_518, %get3A_519, %get3A_520, %get3A_521] : memref<1x8x256x2xf32, #tpu.memory_space<vmem>>, vector<1x1x256x2xf32>
    %get3A_523 = vector.shape_cast %get3A_522 : vector<1x1x256x2xf32> to vector<256x2xf32>
    %dot_general3A_524 = arith.constant dense<0.000000e+00> : vector<128x2xf32>
    %dot_general3A_525 = tpu.matmul %get3A_517, %get3A_523, %dot_general3A_524 {dimension_numbers = #tpu.dot_dimension_numbers<[0], [0], [1], [1], [0, 1, 1, 1], [], []>, transpose_lhs_hint = false} : vector<256x128xf32>, vector<256x2xf32>, vector<128x2xf32> -> vector<128x2xf32>
    %slice3A_526 = vector.extract_strided_slice %dot_general3A_525 {offsets = [0, 0], sizes = [128, 1], strides = [1, 1]} : vector<128x2xf32> to vector<128x1xf32>
    %slice3A_527 = vector.extract_strided_slice %dot_general3A_525 {offsets = [0, 1], sizes = [128, 1], strides = [1, 1]} : vector<128x2xf32> to vector<128x1xf32>
    %slice3A_528 = vector.extract_strided_slice %slice3A_527 {offsets = [1, 0], sizes = [127, 1], strides = [1, 1]} : vector<128x1xf32> to vector<127x1xf32>
    %slice3A_529 = vector.extract_strided_slice %slice3A_527 {offsets = [0, 0], sizes = [1, 1], strides = [1, 1]} : vector<128x1xf32> to vector<1x1xf32>
    %concatenate3A_530 = tpu.concatenate %slice3A_528, %slice3A_529 in 0 : vector<127x1xf32>, vector<1x1xf32> -> vector<128x1xf32>
    %add3A_531 = arith.addf %slice3A_526, %concatenate3A_530 : vector<128x1xf32>
    %slice3A_532 = vector.extract_strided_slice %slice3A_527 {offsets = [127, 0], sizes = [1, 1], strides = [1, 1]} : vector<128x1xf32> to vector<1x1xf32>
    %slice3A_533 = vector.extract_strided_slice %slice3A_527 {offsets = [0, 0], sizes = [127, 1], strides = [1, 1]} : vector<128x1xf32> to vector<127x1xf32>
    %concatenate3A_534 = tpu.concatenate %slice3A_532, %slice3A_533 in 0 : vector<1x1xf32>, vector<127x1xf32> -> vector<128x1xf32>
    %sub3A_535 = arith.subf %concatenate3A_534, %slice3A_526 : vector<128x1xf32>
    %select_n3A_536 = arith.select %eq3A_16, %add3A_531, %sub3A_535 : vector<128x1xi1>, vector<128x1xf32>
    %slice3A_537 = vector.extract_strided_slice %select_n3A_536 {offsets = [1, 0], sizes = [127, 1], strides = [1, 1]} : vector<128x1xf32> to vector<127x1xf32>
    %slice3A_538 = vector.extract_strided_slice %select_n3A_536 {offsets = [0, 0], sizes = [1, 1], strides = [1, 1]} : vector<128x1xf32> to vector<1x1xf32>
    %concatenate3A_539 = tpu.concatenate %slice3A_537, %slice3A_538 in 0 : vector<127x1xf32>, vector<1x1xf32> -> vector<128x1xf32>
    %slice3A_540 = vector.extract_strided_slice %select_n3A_536 {offsets = [127, 0], sizes = [1, 1], strides = [1, 1]} : vector<128x1xf32> to vector<1x1xf32>
    %slice3A_541 = vector.extract_strided_slice %select_n3A_536 {offsets = [0, 0], sizes = [127, 1], strides = [1, 1]} : vector<128x1xf32> to vector<127x1xf32>
    %concatenate3A_542 = tpu.concatenate %slice3A_540, %slice3A_541 in 0 : vector<1x1xf32>, vector<127x1xf32> -> vector<128x1xf32>
    %select_n3A_543 = arith.select %eq3A_16, %concatenate3A_539, %concatenate3A_542 : vector<128x1xi1>, vector<128x1xf32>
    %mul3A_544 = arith.mulf %select_n3A_536, %select_n3A_20 : vector<128x1xf32>
    %concatenate3A_545 = tpu.concatenate %mul3A_544, %select_n3A_543 in 1 : vector<128x1xf32>, vector<128x1xf32> -> vector<128x2xf32>
    %dot_general3A_546 = arith.constant dense<0.000000e+00> : vector<256x2xf32>
    %dot_general3A_547 = tpu.matmul %get3A_517, %concatenate3A_545, %dot_general3A_546 {dimension_numbers = #tpu.dot_dimension_numbers<[1], [0], [0], [1], [0, 0, 1, 1], [], []>, transpose_lhs_hint = false} : vector<256x128xf32>, vector<128x2xf32>, vector<256x2xf32> -> vector<256x2xf32>
    %sub3A_548 = arith.subf %get3A_523, %dot_general3A_547 : vector<256x2xf32>
    %mul3A_549 = arith.mulf %sub3A_548, %sub3A_548 : vector<256x2xf32>
    %reduce_sum3A_550 = vector.shape_cast %mul3A_549 : vector<256x2xf32> to vector<1x256x2xf32>
    %reduce_sum3A_551 = arith.constant dense<0.000000e+00> : vector<1xf32>
    %reduce_sum3A_552 = vector.multi_reduction <add>, %reduce_sum3A_550, %reduce_sum3A_551 [1, 2] : vector<1x256x2xf32> to vector<1xf32>
    %reduce_sum3A_553 = vector.shape_cast %reduce_sum3A_552 : vector<1xf32> to vector<1x1x1xf32>
    %reduce_sum3A_554 = vector.extract %reduce_sum3A_553[0, 0, 0] : f32 from vector<1x1x1xf32>
    %max3A_555 = arith.constant 9.99999996E-13 : f32
    %max3A_556 = arith.maximumf %reduce_sum3A_554, %max3A_555 : f32
    %sqrt3A_557 = math.sqrt %max3A_556 : f32
    %div3A_558 = vector.broadcast %sqrt3A_557 : f32 to vector<256x2xf32>
    %div3A_559 = arith.divf %sub3A_548, %div3A_558 : vector<256x2xf32>
    %mul3A_560 = arith.constant 2 : i32
    %mul3A_561 = arith.muli %mul3A_560, %get3A_504 : i32
    %eq3A_562 = vector.broadcast %mul3A_561 : i32 to vector<256x128xi32>
    %eq3A_563 = arith.cmpi eq, %iota3A_21, %eq3A_562 : vector<256x128xi32>
    %mul3A_564 = arith.constant 2 : i32
    %mul3A_565 = arith.muli %mul3A_564, %get3A_504 : i32
    %add3A_566 = arith.constant 1 : i32
    %add3A_567 = arith.addi %mul3A_565, %add3A_566 : i32
    %eq3A_568 = vector.broadcast %add3A_567 : i32 to vector<256x128xi32>
    %eq3A_569 = arith.cmpi eq, %iota3A_21, %eq3A_568 : vector<256x128xi32>
    %slice3A_570 = vector.extract_strided_slice %div3A_559 {offsets = [0, 0], sizes = [256, 1], strides = [1, 1]} : vector<256x2xf32> to vector<256x1xf32>
    %slice3A_571 = vector.extract_strided_slice %div3A_559 {offsets = [0, 1], sizes = [256, 1], strides = [1, 1]} : vector<256x2xf32> to vector<256x1xf32>
    %broadcast_in_dim3A_572 = vector.shape_cast %slice3A_571 : vector<256x1xf32> to vector<256x1xf32>
    %broadcast_in_dim3A_573 = vector.broadcast %broadcast_in_dim3A_572 : vector<256x1xf32> to vector<256x128xf32>
    %select_n3A_574 = arith.select %eq3A_569, %broadcast_in_dim3A_573, %get3A_517 : vector<256x128xi1>, vector<256x128xf32>
    %broadcast_in_dim3A_575 = vector.shape_cast %slice3A_570 : vector<256x1xf32> to vector<256x1xf32>
    %broadcast_in_dim3A_576 = vector.broadcast %broadcast_in_dim3A_575 : vector<256x1xf32> to vector<256x128xf32>
    %select_n3A_577 = arith.select %eq3A_563, %broadcast_in_dim3A_576, %select_n3A_574 : vector<256x128xi1>, vector<256x128xf32>
    %swap3A_578 = arith.constant 0 : index
    %swap3A_579 = arith.constant 3 : index
    %swap3A_580 = arith.constant 0 : index
    %swap3A_581 = arith.constant 0 : index
    %swap3A_582 = vector.load %arg8[%swap3A_578, %swap3A_579, %swap3A_580, %swap3A_581] : memref<1x8x256x128xf32, #tpu.memory_space<vmem>>, vector<1x1x256x128xf32>
    %swap3A_583 = vector.shape_cast %swap3A_582 : vector<1x1x256x128xf32> to vector<256x128xf32>
    %swap3A_584 = vector.shape_cast %select_n3A_577 : vector<256x128xf32> to vector<1x1x256x128xf32>
    tpu.vector_store %arg8[%swap3A_578, %swap3A_579, %swap3A_580, %swap3A_581], %swap3A_584 {strides = array<i32>} : memref<1x8x256x128xf32, #tpu.memory_space<vmem>>, vector<1x1x256x128xf32>,
    %slice3A_585 = vector.extract_strided_slice %div3A_559 {offsets = [0, 0], sizes = [256, 1], strides = [1, 1]} : vector<256x2xf32> to vector<256x1xf32>
    %slice3A_586 = vector.extract_strided_slice %div3A_559 {offsets = [0, 1], sizes = [256, 1], strides = [1, 1]} : vector<256x2xf32> to vector<256x1xf32>
    %slice3A_587 = vector.extract_strided_slice %get3A_523 {offsets = [0, 0], sizes = [256, 1], strides = [1, 1]} : vector<256x2xf32> to vector<256x1xf32>
    %slice3A_588 = vector.extract_strided_slice %get3A_523 {offsets = [0, 1], sizes = [256, 1], strides = [1, 1]} : vector<256x2xf32> to vector<256x1xf32>
    %mul3A_589 = arith.mulf %slice3A_585, %slice3A_587 : vector<256x1xf32>
    %mul3A_590 = arith.mulf %slice3A_586, %slice3A_588 : vector<256x1xf32>
    %add3A_591 = arith.addf %mul3A_589, %mul3A_590 : vector<256x1xf32>
    %reduce_sum3A_592 = vector.shape_cast %add3A_591 : vector<256x1xf32> to vector<1x256x1xf32>
    %reduce_sum3A_593 = arith.constant dense<0.000000e+00> : vector<1xf32>
    %reduce_sum3A_594 = vector.multi_reduction <add>, %reduce_sum3A_592, %reduce_sum3A_593 [1, 2] : vector<1x256x1xf32> to vector<1xf32>
    %reduce_sum3A_595 = vector.shape_cast %reduce_sum3A_594 : vector<1xf32> to vector<1x1x1xf32>
    %reduce_sum3A_596 = vector.extract %reduce_sum3A_595[0, 0, 0] : f32 from vector<1x1x1xf32>
    %mul3A_597 = arith.mulf %slice3A_585, %slice3A_588 : vector<256x1xf32>
    %mul3A_598 = arith.mulf %slice3A_586, %slice3A_587 : vector<256x1xf32>
    %sub3A_599 = arith.subf %mul3A_597, %mul3A_598 : vector<256x1xf32>
    %reduce_sum3A_600 = vector.shape_cast %sub3A_599 : vector<256x1xf32> to vector<1x256x1xf32>
    %reduce_sum3A_601 = arith.constant dense<0.000000e+00> : vector<1xf32>
    %reduce_sum3A_602 = vector.multi_reduction <add>, %reduce_sum3A_600, %reduce_sum3A_601 [1, 2] : vector<1x256x1xf32> to vector<1xf32>
    %reduce_sum3A_603 = vector.shape_cast %reduce_sum3A_602 : vector<1xf32> to vector<1x1x1xf32>
    %reduce_sum3A_604 = vector.extract %reduce_sum3A_603[0, 0, 0] : f32 from vector<1x1x1xf32>
    %mul3A_605 = arith.constant 2 : i32
    %mul3A_606 = arith.muli %mul3A_605, %get3A_504 : i32
    %eq3A_607 = vector.broadcast %mul3A_606 : i32 to vector<128x1xi32>
    %eq3A_608 = arith.cmpi eq, %iota3A, %eq3A_607 : vector<128x1xi32>
    %mul3A_609 = arith.constant 2 : i32
    %mul3A_610 = arith.muli %mul3A_609, %get3A_504 : i32
    %add3A_611 = arith.constant 1 : i32
    %add3A_612 = arith.addi %mul3A_610, %add3A_611 : i32
    %eq3A_613 = vector.broadcast %add3A_612 : i32 to vector<128x1xi32>
    %eq3A_614 = arith.cmpi eq, %iota3A, %eq3A_613 : vector<128x1xi32>
    %broadcast_in_dim3A_615 = vector.broadcast %reduce_sum3A_604 : f32 to vector<128x1xf32>
    %select_n3A_616 = arith.select %eq3A_614, %broadcast_in_dim3A_615, %select_n3A_536 : vector<128x1xi1>, vector<128x1xf32>
    %broadcast_in_dim3A_617 = vector.broadcast %reduce_sum3A_596 : f32 to vector<128x1xf32>
    %select_n3A_618 = arith.select %eq3A_608, %broadcast_in_dim3A_617, %select_n3A_616 : vector<128x1xi1>, vector<128x1xf32>
    %get3A_619 = arith.constant 0 : index
    %get3A_620 = arith.constant 3 : index
    %get3A_621 = arith.constant 0 : index
    %get3A_622 = arith.constant 0 : index
    %get3A_623 = vector.load %arg4[%get3A_619, %get3A_620, %get3A_621, %get3A_622] : memref<1x8x256x128xf32, #tpu.memory_space<vmem>>, vector<1x1x256x128xf32>
    %get3A_624 = vector.shape_cast %get3A_623 : vector<1x1x256x128xf32> to vector<256x128xf32>
    %get3A_625 = arith.constant 0 : index
    %get3A_626 = arith.constant 3 : index
    %get3A_627 = arith.constant 0 : index
    %get3A_628 = arith.constant 0 : index
    %get3A_629 = vector.load %arg6[%get3A_625, %get3A_626, %get3A_627, %get3A_628] : memref<1x8x256x2xf32, #tpu.memory_space<vmem>>, vector<1x1x256x2xf32>
    %get3A_630 = vector.shape_cast %get3A_629 : vector<1x1x256x2xf32> to vector<256x2xf32>
    %slice3A_631 = vector.extract_strided_slice %get3A_630 {offsets = [0, 0], sizes = [256, 1], strides = [1, 1]} : vector<256x2xf32> to vector<256x1xf32>
    %slice3A_632 = vector.extract_strided_slice %get3A_630 {offsets = [0, 1], sizes = [256, 1], strides = [1, 1]} : vector<256x2xf32> to vector<256x1xf32>
    %broadcast_in_dim3A_633 = vector.shape_cast %slice3A_632 : vector<256x1xf32> to vector<256x1xf32>
    %broadcast_in_dim3A_634 = vector.broadcast %broadcast_in_dim3A_633 : vector<256x1xf32> to vector<256x128xf32>
    %select_n3A_635 = arith.select %eq3A_569, %broadcast_in_dim3A_634, %get3A_624 : vector<256x128xi1>, vector<256x128xf32>
    %broadcast_in_dim3A_636 = vector.shape_cast %slice3A_631 : vector<256x1xf32> to vector<256x1xf32>
    %broadcast_in_dim3A_637 = vector.broadcast %broadcast_in_dim3A_636 : vector<256x1xf32> to vector<256x128xf32>
    %select_n3A_638 = arith.select %eq3A_563, %broadcast_in_dim3A_637, %select_n3A_635 : vector<256x128xi1>, vector<256x128xf32>
    %mul3A_639 = vector.broadcast %min3A_511 : f32 to vector<256x128xf32>
    %mul3A_640 = arith.mulf %mul3A_639, %select_n3A_638 : vector<256x128xf32>
    %swap3A_641 = arith.constant 0 : index
    %swap3A_642 = arith.constant 3 : index
    %swap3A_643 = arith.constant 0 : index
    %swap3A_644 = arith.constant 0 : index
    %swap3A_645 = vector.load %arg9[%swap3A_641, %swap3A_642, %swap3A_643, %swap3A_644] : memref<1x8x256x128xf32, #tpu.memory_space<vmem>>, vector<1x1x256x128xf32>
    %swap3A_646 = vector.shape_cast %swap3A_645 : vector<1x1x256x128xf32> to vector<256x128xf32>
    %swap3A_647 = vector.shape_cast %mul3A_640 : vector<256x128xf32> to vector<1x1x256x128xf32>
    tpu.vector_store %arg9[%swap3A_641, %swap3A_642, %swap3A_643, %swap3A_644], %swap3A_647 {strides = array<i32>} : memref<1x8x256x128xf32, #tpu.memory_space<vmem>>, vector<1x1x256x128xf32>,
    %slice3A_648 = vector.extract_strided_slice %select_n3A_618 {offsets = [1, 0], sizes = [127, 1], strides = [1, 1]} : vector<128x1xf32> to vector<127x1xf32>
    %slice3A_649 = vector.extract_strided_slice %select_n3A_618 {offsets = [0, 0], sizes = [1, 1], strides = [1, 1]} : vector<128x1xf32> to vector<1x1xf32>
    %concatenate3A_650 = tpu.concatenate %slice3A_648, %slice3A_649 in 0 : vector<127x1xf32>, vector<1x1xf32> -> vector<128x1xf32>
    %slice3A_651 = vector.extract_strided_slice %select_n3A_618 {offsets = [127, 0], sizes = [1, 1], strides = [1, 1]} : vector<128x1xf32> to vector<1x1xf32>
    %slice3A_652 = vector.extract_strided_slice %select_n3A_618 {offsets = [0, 0], sizes = [127, 1], strides = [1, 1]} : vector<128x1xf32> to vector<127x1xf32>
    %concatenate3A_653 = tpu.concatenate %slice3A_651, %slice3A_652 in 0 : vector<1x1xf32>, vector<127x1xf32> -> vector<128x1xf32>
    %select_n3A_654 = arith.select %eq3A_16, %concatenate3A_650, %concatenate3A_653 : vector<128x1xi1>, vector<128x1xf32>
    %mul3A_655 = arith.mulf %select_n3A_618, %select_n3A_20 : vector<128x1xf32>
    %concatenate3A_656 = tpu.concatenate %mul3A_655, %select_n3A_654 in 1 : vector<128x1xf32>, vector<128x1xf32> -> vector<128x2xf32>
    %dot_general3A_657 = arith.constant dense<0.000000e+00> : vector<256x2xf32>
    %dot_general3A_658 = tpu.matmul %mul3A_640, %concatenate3A_656, %dot_general3A_657 {dimension_numbers = #tpu.dot_dimension_numbers<[1], [0], [0], [1], [0, 0, 1, 1], [], []>, transpose_lhs_hint = false} : vector<256x128xf32>, vector<128x2xf32>, vector<256x2xf32> -> vector<256x2xf32>
    %swap3A_659 = arith.constant 0 : index
    %swap3A_660 = arith.constant 3 : index
    %swap3A_661 = arith.constant 0 : index
    %swap3A_662 = arith.constant 0 : index
    %swap3A_663 = vector.load %arg7[%swap3A_659, %swap3A_660, %swap3A_661, %swap3A_662] : memref<1x8x256x2xf32, #tpu.memory_space<vmem>>, vector<1x1x256x2xf32>
    %swap3A_664 = vector.shape_cast %swap3A_663 : vector<1x1x256x2xf32> to vector<256x2xf32>
    %swap3A_665 = vector.shape_cast %dot_general3A_658 : vector<256x2xf32> to vector<1x1x256x2xf32>
    tpu.vector_store %arg7[%swap3A_659, %swap3A_660, %swap3A_661, %swap3A_662], %swap3A_665 {strides = array<i32>} : memref<1x8x256x2xf32, #tpu.memory_space<vmem>>, vector<1x1x256x2xf32>,
    %get3A_666 = arith.index_cast %arg0 : i32 to index
    %get3A_667 = arith.constant 4 : index
    %get3A_668 = memref.load %arg1[%get3A_666, %get3A_667] : memref<64x8xi32, #tpu.memory_space<smem>>
    %get3A_669 = arith.index_cast %arg0 : i32 to index
    %get3A_670 = arith.constant 4 : index
    %get3A_671 = memref.load %arg2[%get3A_669, %get3A_670] : memref<64x8xf32, #tpu.memory_space<smem>>
    %jit3A_672 = arith.constant 0.000000e+00 : f32
    %jit3A_673 = arith.constant 1.000000e+00 : f32
    %max3A_674 = arith.maximumf %jit3A_672, %get3A_671 : f32
    %min3A_675 = arith.minimumf %jit3A_673, %max3A_674 : f32
    %get3A_676 = arith.constant 0 : index
    %get3A_677 = arith.constant 4 : index
    %get3A_678 = arith.constant 0 : index
    %get3A_679 = arith.constant 0 : index
    %get3A_680 = vector.load %arg3[%get3A_676, %get3A_677, %get3A_678, %get3A_679] : memref<1x8x256x128xf32, #tpu.memory_space<vmem>>, vector<1x1x256x128xf32>
    %get3A_681 = vector.shape_cast %get3A_680 : vector<1x1x256x128xf32> to vector<256x128xf32>
    %get3A_682 = arith.constant 0 : index
    %get3A_683 = arith.constant 4 : index
    %get3A_684 = arith.constant 0 : index
    %get3A_685 = arith.constant 0 : index
    %get3A_686 = vector.load %arg5[%get3A_682, %get3A_683, %get3A_684, %get3A_685] : memref<1x8x256x2xf32, #tpu.memory_space<vmem>>, vector<1x1x256x2xf32>
    %get3A_687 = vector.shape_cast %get3A_686 : vector<1x1x256x2xf32> to vector<256x2xf32>
    %dot_general3A_688 = arith.constant dense<0.000000e+00> : vector<128x2xf32>
    %dot_general3A_689 = tpu.matmul %get3A_681, %get3A_687, %dot_general3A_688 {dimension_numbers = #tpu.dot_dimension_numbers<[0], [0], [1], [1], [0, 1, 1, 1], [], []>, transpose_lhs_hint = false} : vector<256x128xf32>, vector<256x2xf32>, vector<128x2xf32> -> vector<128x2xf32>
    %slice3A_690 = vector.extract_strided_slice %dot_general3A_689 {offsets = [0, 0], sizes = [128, 1], strides = [1, 1]} : vector<128x2xf32> to vector<128x1xf32>
    %slice3A_691 = vector.extract_strided_slice %dot_general3A_689 {offsets = [0, 1], sizes = [128, 1], strides = [1, 1]} : vector<128x2xf32> to vector<128x1xf32>
    %slice3A_692 = vector.extract_strided_slice %slice3A_691 {offsets = [1, 0], sizes = [127, 1], strides = [1, 1]} : vector<128x1xf32> to vector<127x1xf32>
    %slice3A_693 = vector.extract_strided_slice %slice3A_691 {offsets = [0, 0], sizes = [1, 1], strides = [1, 1]} : vector<128x1xf32> to vector<1x1xf32>
    %concatenate3A_694 = tpu.concatenate %slice3A_692, %slice3A_693 in 0 : vector<127x1xf32>, vector<1x1xf32> -> vector<128x1xf32>
    %add3A_695 = arith.addf %slice3A_690, %concatenate3A_694 : vector<128x1xf32>
    %slice3A_696 = vector.extract_strided_slice %slice3A_691 {offsets = [127, 0], sizes = [1, 1], strides = [1, 1]} : vector<128x1xf32> to vector<1x1xf32>
    %slice3A_697 = vector.extract_strided_slice %slice3A_691 {offsets = [0, 0], sizes = [127, 1], strides = [1, 1]} : vector<128x1xf32> to vector<127x1xf32>
    %concatenate3A_698 = tpu.concatenate %slice3A_696, %slice3A_697 in 0 : vector<1x1xf32>, vector<127x1xf32> -> vector<128x1xf32>
    %sub3A_699 = arith.subf %concatenate3A_698, %slice3A_690 : vector<128x1xf32>
    %select_n3A_700 = arith.select %eq3A_16, %add3A_695, %sub3A_699 : vector<128x1xi1>, vector<128x1xf32>
    %slice3A_701 = vector.extract_strided_slice %select_n3A_700 {offsets = [1, 0], sizes = [127, 1], strides = [1, 1]} : vector<128x1xf32> to vector<127x1xf32>
    %slice3A_702 = vector.extract_strided_slice %select_n3A_700 {offsets = [0, 0], sizes = [1, 1], strides = [1, 1]} : vector<128x1xf32> to vector<1x1xf32>
    %concatenate3A_703 = tpu.concatenate %slice3A_701, %slice3A_702 in 0 : vector<127x1xf32>, vector<1x1xf32> -> vector<128x1xf32>
    %slice3A_704 = vector.extract_strided_slice %select_n3A_700 {offsets = [127, 0], sizes = [1, 1], strides = [1, 1]} : vector<128x1xf32> to vector<1x1xf32>
    %slice3A_705 = vector.extract_strided_slice %select_n3A_700 {offsets = [0, 0], sizes = [127, 1], strides = [1, 1]} : vector<128x1xf32> to vector<127x1xf32>
    %concatenate3A_706 = tpu.concatenate %slice3A_704, %slice3A_705 in 0 : vector<1x1xf32>, vector<127x1xf32> -> vector<128x1xf32>
    %select_n3A_707 = arith.select %eq3A_16, %concatenate3A_703, %concatenate3A_706 : vector<128x1xi1>, vector<128x1xf32>
    %mul3A_708 = arith.mulf %select_n3A_700, %select_n3A_20 : vector<128x1xf32>
    %concatenate3A_709 = tpu.concatenate %mul3A_708, %select_n3A_707 in 1 : vector<128x1xf32>, vector<128x1xf32> -> vector<128x2xf32>
    %dot_general3A_710 = arith.constant dense<0.000000e+00> : vector<256x2xf32>
    %dot_general3A_711 = tpu.matmul %get3A_681, %concatenate3A_709, %dot_general3A_710 {dimension_numbers = #tpu.dot_dimension_numbers<[1], [0], [0], [1], [0, 0, 1, 1], [], []>, transpose_lhs_hint = false} : vector<256x128xf32>, vector<128x2xf32>, vector<256x2xf32> -> vector<256x2xf32>
    %sub3A_712 = arith.subf %get3A_687, %dot_general3A_711 : vector<256x2xf32>
    %mul3A_713 = arith.mulf %sub3A_712, %sub3A_712 : vector<256x2xf32>
    %reduce_sum3A_714 = vector.shape_cast %mul3A_713 : vector<256x2xf32> to vector<1x256x2xf32>
    %reduce_sum3A_715 = arith.constant dense<0.000000e+00> : vector<1xf32>
    %reduce_sum3A_716 = vector.multi_reduction <add>, %reduce_sum3A_714, %reduce_sum3A_715 [1, 2] : vector<1x256x2xf32> to vector<1xf32>
    %reduce_sum3A_717 = vector.shape_cast %reduce_sum3A_716 : vector<1xf32> to vector<1x1x1xf32>
    %reduce_sum3A_718 = vector.extract %reduce_sum3A_717[0, 0, 0] : f32 from vector<1x1x1xf32>
    %max3A_719 = arith.constant 9.99999996E-13 : f32
    %max3A_720 = arith.maximumf %reduce_sum3A_718, %max3A_719 : f32
    %sqrt3A_721 = math.sqrt %max3A_720 : f32
    %div3A_722 = vector.broadcast %sqrt3A_721 : f32 to vector<256x2xf32>
    %div3A_723 = arith.divf %sub3A_712, %div3A_722 : vector<256x2xf32>
    %mul3A_724 = arith.constant 2 : i32
    %mul3A_725 = arith.muli %mul3A_724, %get3A_668 : i32
    %eq3A_726 = vector.broadcast %mul3A_725 : i32 to vector<256x128xi32>
    %eq3A_727 = arith.cmpi eq, %iota3A_21, %eq3A_726 : vector<256x128xi32>
    %mul3A_728 = arith.constant 2 : i32
    %mul3A_729 = arith.muli %mul3A_728, %get3A_668 : i32
    %add3A_730 = arith.constant 1 : i32
    %add3A_731 = arith.addi %mul3A_729, %add3A_730 : i32
    %eq3A_732 = vector.broadcast %add3A_731 : i32 to vector<256x128xi32>
    %eq3A_733 = arith.cmpi eq, %iota3A_21, %eq3A_732 : vector<256x128xi32>
    %slice3A_734 = vector.extract_strided_slice %div3A_723 {offsets = [0, 0], sizes = [256, 1], strides = [1, 1]} : vector<256x2xf32> to vector<256x1xf32>
    %slice3A_735 = vector.extract_strided_slice %div3A_723 {offsets = [0, 1], sizes = [256, 1], strides = [1, 1]} : vector<256x2xf32> to vector<256x1xf32>
    %broadcast_in_dim3A_736 = vector.shape_cast %slice3A_735 : vector<256x1xf32> to vector<256x1xf32>
    %broadcast_in_dim3A_737 = vector.broadcast %broadcast_in_dim3A_736 : vector<256x1xf32> to vector<256x128xf32>
    %select_n3A_738 = arith.select %eq3A_733, %broadcast_in_dim3A_737, %get3A_681 : vector<256x128xi1>, vector<256x128xf32>
    %broadcast_in_dim3A_739 = vector.shape_cast %slice3A_734 : vector<256x1xf32> to vector<256x1xf32>
    %broadcast_in_dim3A_740 = vector.broadcast %broadcast_in_dim3A_739 : vector<256x1xf32> to vector<256x128xf32>
    %select_n3A_741 = arith.select %eq3A_727, %broadcast_in_dim3A_740, %select_n3A_738 : vector<256x128xi1>, vector<256x128xf32>
    %swap3A_742 = arith.constant 0 : index
    %swap3A_743 = arith.constant 4 : index
    %swap3A_744 = arith.constant 0 : index
    %swap3A_745 = arith.constant 0 : index
    %swap3A_746 = vector.load %arg8[%swap3A_742, %swap3A_743, %swap3A_744, %swap3A_745] : memref<1x8x256x128xf32, #tpu.memory_space<vmem>>, vector<1x1x256x128xf32>
    %swap3A_747 = vector.shape_cast %swap3A_746 : vector<1x1x256x128xf32> to vector<256x128xf32>
    %swap3A_748 = vector.shape_cast %select_n3A_741 : vector<256x128xf32> to vector<1x1x256x128xf32>
    tpu.vector_store %arg8[%swap3A_742, %swap3A_743, %swap3A_744, %swap3A_745], %swap3A_748 {strides = array<i32>} : memref<1x8x256x128xf32, #tpu.memory_space<vmem>>, vector<1x1x256x128xf32>,
    %slice3A_749 = vector.extract_strided_slice %div3A_723 {offsets = [0, 0], sizes = [256, 1], strides = [1, 1]} : vector<256x2xf32> to vector<256x1xf32>
    %slice3A_750 = vector.extract_strided_slice %div3A_723 {offsets = [0, 1], sizes = [256, 1], strides = [1, 1]} : vector<256x2xf32> to vector<256x1xf32>
    %slice3A_751 = vector.extract_strided_slice %get3A_687 {offsets = [0, 0], sizes = [256, 1], strides = [1, 1]} : vector<256x2xf32> to vector<256x1xf32>
    %slice3A_752 = vector.extract_strided_slice %get3A_687 {offsets = [0, 1], sizes = [256, 1], strides = [1, 1]} : vector<256x2xf32> to vector<256x1xf32>
    %mul3A_753 = arith.mulf %slice3A_749, %slice3A_751 : vector<256x1xf32>
    %mul3A_754 = arith.mulf %slice3A_750, %slice3A_752 : vector<256x1xf32>
    %add3A_755 = arith.addf %mul3A_753, %mul3A_754 : vector<256x1xf32>
    %reduce_sum3A_756 = vector.shape_cast %add3A_755 : vector<256x1xf32> to vector<1x256x1xf32>
    %reduce_sum3A_757 = arith.constant dense<0.000000e+00> : vector<1xf32>
    %reduce_sum3A_758 = vector.multi_reduction <add>, %reduce_sum3A_756, %reduce_sum3A_757 [1, 2] : vector<1x256x1xf32> to vector<1xf32>
    %reduce_sum3A_759 = vector.shape_cast %reduce_sum3A_758 : vector<1xf32> to vector<1x1x1xf32>
    %reduce_sum3A_760 = vector.extract %reduce_sum3A_759[0, 0, 0] : f32 from vector<1x1x1xf32>
    %mul3A_761 = arith.mulf %slice3A_749, %slice3A_752 : vector<256x1xf32>
    %mul3A_762 = arith.mulf %slice3A_750, %slice3A_751 : vector<256x1xf32>
    %sub3A_763 = arith.subf %mul3A_761, %mul3A_762 : vector<256x1xf32>
    %reduce_sum3A_764 = vector.shape_cast %sub3A_763 : vector<256x1xf32> to vector<1x256x1xf32>
    %reduce_sum3A_765 = arith.constant dense<0.000000e+00> : vector<1xf32>
    %reduce_sum3A_766 = vector.multi_reduction <add>, %reduce_sum3A_764, %reduce_sum3A_765 [1, 2] : vector<1x256x1xf32> to vector<1xf32>
    %reduce_sum3A_767 = vector.shape_cast %reduce_sum3A_766 : vector<1xf32> to vector<1x1x1xf32>
    %reduce_sum3A_768 = vector.extract %reduce_sum3A_767[0, 0, 0] : f32 from vector<1x1x1xf32>
    %mul3A_769 = arith.constant 2 : i32
    %mul3A_770 = arith.muli %mul3A_769, %get3A_668 : i32
    %eq3A_771 = vector.broadcast %mul3A_770 : i32 to vector<128x1xi32>
    %eq3A_772 = arith.cmpi eq, %iota3A, %eq3A_771 : vector<128x1xi32>
    %mul3A_773 = arith.constant 2 : i32
    %mul3A_774 = arith.muli %mul3A_773, %get3A_668 : i32
    %add3A_775 = arith.constant 1 : i32
    %add3A_776 = arith.addi %mul3A_774, %add3A_775 : i32
    %eq3A_777 = vector.broadcast %add3A_776 : i32 to vector<128x1xi32>
    %eq3A_778 = arith.cmpi eq, %iota3A, %eq3A_777 : vector<128x1xi32>
    %broadcast_in_dim3A_779 = vector.broadcast %reduce_sum3A_768 : f32 to vector<128x1xf32>
    %select_n3A_780 = arith.select %eq3A_778, %broadcast_in_dim3A_779, %select_n3A_700 : vector<128x1xi1>, vector<128x1xf32>
    %broadcast_in_dim3A_781 = vector.broadcast %reduce_sum3A_760 : f32 to vector<128x1xf32>
    %select_n3A_782 = arith.select %eq3A_772, %broadcast_in_dim3A_781, %select_n3A_780 : vector<128x1xi1>, vector<128x1xf32>
    %get3A_783 = arith.constant 0 : index
    %get3A_784 = arith.constant 4 : index
    %get3A_785 = arith.constant 0 : index
    %get3A_786 = arith.constant 0 : index
    %get3A_787 = vector.load %arg4[%get3A_783, %get3A_784, %get3A_785, %get3A_786] : memref<1x8x256x128xf32, #tpu.memory_space<vmem>>, vector<1x1x256x128xf32>
    %get3A_788 = vector.shape_cast %get3A_787 : vector<1x1x256x128xf32> to vector<256x128xf32>
    %get3A_789 = arith.constant 0 : index
    %get3A_790 = arith.constant 4 : index
    %get3A_791 = arith.constant 0 : index
    %get3A_792 = arith.constant 0 : index
    %get3A_793 = vector.load %arg6[%get3A_789, %get3A_790, %get3A_791, %get3A_792] : memref<1x8x256x2xf32, #tpu.memory_space<vmem>>, vector<1x1x256x2xf32>
    %get3A_794 = vector.shape_cast %get3A_793 : vector<1x1x256x2xf32> to vector<256x2xf32>
    %slice3A_795 = vector.extract_strided_slice %get3A_794 {offsets = [0, 0], sizes = [256, 1], strides = [1, 1]} : vector<256x2xf32> to vector<256x1xf32>
    %slice3A_796 = vector.extract_strided_slice %get3A_794 {offsets = [0, 1], sizes = [256, 1], strides = [1, 1]} : vector<256x2xf32> to vector<256x1xf32>
    %broadcast_in_dim3A_797 = vector.shape_cast %slice3A_796 : vector<256x1xf32> to vector<256x1xf32>
    %broadcast_in_dim3A_798 = vector.broadcast %broadcast_in_dim3A_797 : vector<256x1xf32> to vector<256x128xf32>
    %select_n3A_799 = arith.select %eq3A_733, %broadcast_in_dim3A_798, %get3A_788 : vector<256x128xi1>, vector<256x128xf32>
    %broadcast_in_dim3A_800 = vector.shape_cast %slice3A_795 : vector<256x1xf32> to vector<256x1xf32>
    %broadcast_in_dim3A_801 = vector.broadcast %broadcast_in_dim3A_800 : vector<256x1xf32> to vector<256x128xf32>
    %select_n3A_802 = arith.select %eq3A_727, %broadcast_in_dim3A_801, %select_n3A_799 : vector<256x128xi1>, vector<256x128xf32>
    %mul3A_803 = vector.broadcast %min3A_675 : f32 to vector<256x128xf32>
    %mul3A_804 = arith.mulf %mul3A_803, %select_n3A_802 : vector<256x128xf32>
    %swap3A_805 = arith.constant 0 : index
    %swap3A_806 = arith.constant 4 : index
    %swap3A_807 = arith.constant 0 : index
    %swap3A_808 = arith.constant 0 : index
    %swap3A_809 = vector.load %arg9[%swap3A_805, %swap3A_806, %swap3A_807, %swap3A_808] : memref<1x8x256x128xf32, #tpu.memory_space<vmem>>, vector<1x1x256x128xf32>
    %swap3A_810 = vector.shape_cast %swap3A_809 : vector<1x1x256x128xf32> to vector<256x128xf32>
    %swap3A_811 = vector.shape_cast %mul3A_804 : vector<256x128xf32> to vector<1x1x256x128xf32>
    tpu.vector_store %arg9[%swap3A_805, %swap3A_806, %swap3A_807, %swap3A_808], %swap3A_811 {strides = array<i32>} : memref<1x8x256x128xf32, #tpu.memory_space<vmem>>, vector<1x1x256x128xf32>,
    %slice3A_812 = vector.extract_strided_slice %select_n3A_782 {offsets = [1, 0], sizes = [127, 1], strides = [1, 1]} : vector<128x1xf32> to vector<127x1xf32>
    %slice3A_813 = vector.extract_strided_slice %select_n3A_782 {offsets = [0, 0], sizes = [1, 1], strides = [1, 1]} : vector<128x1xf32> to vector<1x1xf32>
    %concatenate3A_814 = tpu.concatenate %slice3A_812, %slice3A_813 in 0 : vector<127x1xf32>, vector<1x1xf32> -> vector<128x1xf32>
    %slice3A_815 = vector.extract_strided_slice %select_n3A_782 {offsets = [127, 0], sizes = [1, 1], strides = [1, 1]} : vector<128x1xf32> to vector<1x1xf32>
    %slice3A_816 = vector.extract_strided_slice %select_n3A_782 {offsets = [0, 0], sizes = [127, 1], strides = [1, 1]} : vector<128x1xf32> to vector<127x1xf32>
    %concatenate3A_817 = tpu.concatenate %slice3A_815, %slice3A_816 in 0 : vector<1x1xf32>, vector<127x1xf32> -> vector<128x1xf32>
    %select_n3A_818 = arith.select %eq3A_16, %concatenate3A_814, %concatenate3A_817 : vector<128x1xi1>, vector<128x1xf32>
    %mul3A_819 = arith.mulf %select_n3A_782, %select_n3A_20 : vector<128x1xf32>
    %concatenate3A_820 = tpu.concatenate %mul3A_819, %select_n3A_818 in 1 : vector<128x1xf32>, vector<128x1xf32> -> vector<128x2xf32>
    %dot_general3A_821 = arith.constant dense<0.000000e+00> : vector<256x2xf32>
    %dot_general3A_822 = tpu.matmul %mul3A_804, %concatenate3A_820, %dot_general3A_821 {dimension_numbers = #tpu.dot_dimension_numbers<[1], [0], [0], [1], [0, 0, 1, 1], [], []>, transpose_lhs_hint = false} : vector<256x128xf32>, vector<128x2xf32>, vector<256x2xf32> -> vector<256x2xf32>
    %swap3A_823 = arith.constant 0 : index
    %swap3A_824 = arith.constant 4 : index
    %swap3A_825 = arith.constant 0 : index
    %swap3A_826 = arith.constant 0 : index
    %swap3A_827 = vector.load %arg7[%swap3A_823, %swap3A_824, %swap3A_825, %swap3A_826] : memref<1x8x256x2xf32, #tpu.memory_space<vmem>>, vector<1x1x256x2xf32>
    %swap3A_828 = vector.shape_cast %swap3A_827 : vector<1x1x256x2xf32> to vector<256x2xf32>
    %swap3A_829 = vector.shape_cast %dot_general3A_822 : vector<256x2xf32> to vector<1x1x256x2xf32>
    tpu.vector_store %arg7[%swap3A_823, %swap3A_824, %swap3A_825, %swap3A_826], %swap3A_829 {strides = array<i32>} : memref<1x8x256x2xf32, #tpu.memory_space<vmem>>, vector<1x1x256x2xf32>,
    %get3A_830 = arith.index_cast %arg0 : i32 to index
    %get3A_831 = arith.constant 5 : index
    %get3A_832 = memref.load %arg1[%get3A_830, %get3A_831] : memref<64x8xi32, #tpu.memory_space<smem>>
    %get3A_833 = arith.index_cast %arg0 : i32 to index
    %get3A_834 = arith.constant 5 : index
    %get3A_835 = memref.load %arg2[%get3A_833, %get3A_834] : memref<64x8xf32, #tpu.memory_space<smem>>
    %jit3A_836 = arith.constant 0.000000e+00 : f32
    %jit3A_837 = arith.constant 1.000000e+00 : f32
    %max3A_838 = arith.maximumf %jit3A_836, %get3A_835 : f32
    %min3A_839 = arith.minimumf %jit3A_837, %max3A_838 : f32
    %get3A_840 = arith.constant 0 : index
    %get3A_841 = arith.constant 5 : index
    %get3A_842 = arith.constant 0 : index
    %get3A_843 = arith.constant 0 : index
    %get3A_844 = vector.load %arg3[%get3A_840, %get3A_841, %get3A_842, %get3A_843] : memref<1x8x256x128xf32, #tpu.memory_space<vmem>>, vector<1x1x256x128xf32>
    %get3A_845 = vector.shape_cast %get3A_844 : vector<1x1x256x128xf32> to vector<256x128xf32>
    %get3A_846 = arith.constant 0 : index
    %get3A_847 = arith.constant 5 : index
    %get3A_848 = arith.constant 0 : index
    %get3A_849 = arith.constant 0 : index
    %get3A_850 = vector.load %arg5[%get3A_846, %get3A_847, %get3A_848, %get3A_849] : memref<1x8x256x2xf32, #tpu.memory_space<vmem>>, vector<1x1x256x2xf32>
    %get3A_851 = vector.shape_cast %get3A_850 : vector<1x1x256x2xf32> to vector<256x2xf32>
    %dot_general3A_852 = arith.constant dense<0.000000e+00> : vector<128x2xf32>
    %dot_general3A_853 = tpu.matmul %get3A_845, %get3A_851, %dot_general3A_852 {dimension_numbers = #tpu.dot_dimension_numbers<[0], [0], [1], [1], [0, 1, 1, 1], [], []>, transpose_lhs_hint = false} : vector<256x128xf32>, vector<256x2xf32>, vector<128x2xf32> -> vector<128x2xf32>
    %slice3A_854 = vector.extract_strided_slice %dot_general3A_853 {offsets = [0, 0], sizes = [128, 1], strides = [1, 1]} : vector<128x2xf32> to vector<128x1xf32>
    %slice3A_855 = vector.extract_strided_slice %dot_general3A_853 {offsets = [0, 1], sizes = [128, 1], strides = [1, 1]} : vector<128x2xf32> to vector<128x1xf32>
    %slice3A_856 = vector.extract_strided_slice %slice3A_855 {offsets = [1, 0], sizes = [127, 1], strides = [1, 1]} : vector<128x1xf32> to vector<127x1xf32>
    %slice3A_857 = vector.extract_strided_slice %slice3A_855 {offsets = [0, 0], sizes = [1, 1], strides = [1, 1]} : vector<128x1xf32> to vector<1x1xf32>
    %concatenate3A_858 = tpu.concatenate %slice3A_856, %slice3A_857 in 0 : vector<127x1xf32>, vector<1x1xf32> -> vector<128x1xf32>
    %add3A_859 = arith.addf %slice3A_854, %concatenate3A_858 : vector<128x1xf32>
    %slice3A_860 = vector.extract_strided_slice %slice3A_855 {offsets = [127, 0], sizes = [1, 1], strides = [1, 1]} : vector<128x1xf32> to vector<1x1xf32>
    %slice3A_861 = vector.extract_strided_slice %slice3A_855 {offsets = [0, 0], sizes = [127, 1], strides = [1, 1]} : vector<128x1xf32> to vector<127x1xf32>
    %concatenate3A_862 = tpu.concatenate %slice3A_860, %slice3A_861 in 0 : vector<1x1xf32>, vector<127x1xf32> -> vector<128x1xf32>
    %sub3A_863 = arith.subf %concatenate3A_862, %slice3A_854 : vector<128x1xf32>
    %select_n3A_864 = arith.select %eq3A_16, %add3A_859, %sub3A_863 : vector<128x1xi1>, vector<128x1xf32>
    %slice3A_865 = vector.extract_strided_slice %select_n3A_864 {offsets = [1, 0], sizes = [127, 1], strides = [1, 1]} : vector<128x1xf32> to vector<127x1xf32>
    %slice3A_866 = vector.extract_strided_slice %select_n3A_864 {offsets = [0, 0], sizes = [1, 1], strides = [1, 1]} : vector<128x1xf32> to vector<1x1xf32>
    %concatenate3A_867 = tpu.concatenate %slice3A_865, %slice3A_866 in 0 : vector<127x1xf32>, vector<1x1xf32> -> vector<128x1xf32>
    %slice3A_868 = vector.extract_strided_slice %select_n3A_864 {offsets = [127, 0], sizes = [1, 1], strides = [1, 1]} : vector<128x1xf32> to vector<1x1xf32>
    %slice3A_869 = vector.extract_strided_slice %select_n3A_864 {offsets = [0, 0], sizes = [127, 1], strides = [1, 1]} : vector<128x1xf32> to vector<127x1xf32>
    %concatenate3A_870 = tpu.concatenate %slice3A_868, %slice3A_869 in 0 : vector<1x1xf32>, vector<127x1xf32> -> vector<128x1xf32>
    %select_n3A_871 = arith.select %eq3A_16, %concatenate3A_867, %concatenate3A_870 : vector<128x1xi1>, vector<128x1xf32>
    %mul3A_872 = arith.mulf %select_n3A_864, %select_n3A_20 : vector<128x1xf32>
    %concatenate3A_873 = tpu.concatenate %mul3A_872, %select_n3A_871 in 1 : vector<128x1xf32>, vector<128x1xf32> -> vector<128x2xf32>
    %dot_general3A_874 = arith.constant dense<0.000000e+00> : vector<256x2xf32>
    %dot_general3A_875 = tpu.matmul %get3A_845, %concatenate3A_873, %dot_general3A_874 {dimension_numbers = #tpu.dot_dimension_numbers<[1], [0], [0], [1], [0, 0, 1, 1], [], []>, transpose_lhs_hint = false} : vector<256x128xf32>, vector<128x2xf32>, vector<256x2xf32> -> vector<256x2xf32>
    %sub3A_876 = arith.subf %get3A_851, %dot_general3A_875 : vector<256x2xf32>
    %mul3A_877 = arith.mulf %sub3A_876, %sub3A_876 : vector<256x2xf32>
    %reduce_sum3A_878 = vector.shape_cast %mul3A_877 : vector<256x2xf32> to vector<1x256x2xf32>
    %reduce_sum3A_879 = arith.constant dense<0.000000e+00> : vector<1xf32>
    %reduce_sum3A_880 = vector.multi_reduction <add>, %reduce_sum3A_878, %reduce_sum3A_879 [1, 2] : vector<1x256x2xf32> to vector<1xf32>
    %reduce_sum3A_881 = vector.shape_cast %reduce_sum3A_880 : vector<1xf32> to vector<1x1x1xf32>
    %reduce_sum3A_882 = vector.extract %reduce_sum3A_881[0, 0, 0] : f32 from vector<1x1x1xf32>
    %max3A_883 = arith.constant 9.99999996E-13 : f32
    %max3A_884 = arith.maximumf %reduce_sum3A_882, %max3A_883 : f32
    %sqrt3A_885 = math.sqrt %max3A_884 : f32
    %div3A_886 = vector.broadcast %sqrt3A_885 : f32 to vector<256x2xf32>
    %div3A_887 = arith.divf %sub3A_876, %div3A_886 : vector<256x2xf32>
    %mul3A_888 = arith.constant 2 : i32
    %mul3A_889 = arith.muli %mul3A_888, %get3A_832 : i32
    %eq3A_890 = vector.broadcast %mul3A_889 : i32 to vector<256x128xi32>
    %eq3A_891 = arith.cmpi eq, %iota3A_21, %eq3A_890 : vector<256x128xi32>
    %mul3A_892 = arith.constant 2 : i32
    %mul3A_893 = arith.muli %mul3A_892, %get3A_832 : i32
    %add3A_894 = arith.constant 1 : i32
    %add3A_895 = arith.addi %mul3A_893, %add3A_894 : i32
    %eq3A_896 = vector.broadcast %add3A_895 : i32 to vector<256x128xi32>
    %eq3A_897 = arith.cmpi eq, %iota3A_21, %eq3A_896 : vector<256x128xi32>
    %slice3A_898 = vector.extract_strided_slice %div3A_887 {offsets = [0, 0], sizes = [256, 1], strides = [1, 1]} : vector<256x2xf32> to vector<256x1xf32>
    %slice3A_899 = vector.extract_strided_slice %div3A_887 {offsets = [0, 1], sizes = [256, 1], strides = [1, 1]} : vector<256x2xf32> to vector<256x1xf32>
    %broadcast_in_dim3A_900 = vector.shape_cast %slice3A_899 : vector<256x1xf32> to vector<256x1xf32>
    %broadcast_in_dim3A_901 = vector.broadcast %broadcast_in_dim3A_900 : vector<256x1xf32> to vector<256x128xf32>
    %select_n3A_902 = arith.select %eq3A_897, %broadcast_in_dim3A_901, %get3A_845 : vector<256x128xi1>, vector<256x128xf32>
    %broadcast_in_dim3A_903 = vector.shape_cast %slice3A_898 : vector<256x1xf32> to vector<256x1xf32>
    %broadcast_in_dim3A_904 = vector.broadcast %broadcast_in_dim3A_903 : vector<256x1xf32> to vector<256x128xf32>
    %select_n3A_905 = arith.select %eq3A_891, %broadcast_in_dim3A_904, %select_n3A_902 : vector<256x128xi1>, vector<256x128xf32>
    %swap3A_906 = arith.constant 0 : index
    %swap3A_907 = arith.constant 5 : index
    %swap3A_908 = arith.constant 0 : index
    %swap3A_909 = arith.constant 0 : index
    %swap3A_910 = vector.load %arg8[%swap3A_906, %swap3A_907, %swap3A_908, %swap3A_909] : memref<1x8x256x128xf32, #tpu.memory_space<vmem>>, vector<1x1x256x128xf32>
    %swap3A_911 = vector.shape_cast %swap3A_910 : vector<1x1x256x128xf32> to vector<256x128xf32>
    %swap3A_912 = vector.shape_cast %select_n3A_905 : vector<256x128xf32> to vector<1x1x256x128xf32>
    tpu.vector_store %arg8[%swap3A_906, %swap3A_907, %swap3A_908, %swap3A_909], %swap3A_912 {strides = array<i32>} : memref<1x8x256x128xf32, #tpu.memory_space<vmem>>, vector<1x1x256x128xf32>,
    %slice3A_913 = vector.extract_strided_slice %div3A_887 {offsets = [0, 0], sizes = [256, 1], strides = [1, 1]} : vector<256x2xf32> to vector<256x1xf32>
    %slice3A_914 = vector.extract_strided_slice %div3A_887 {offsets = [0, 1], sizes = [256, 1], strides = [1, 1]} : vector<256x2xf32> to vector<256x1xf32>
    %slice3A_915 = vector.extract_strided_slice %get3A_851 {offsets = [0, 0], sizes = [256, 1], strides = [1, 1]} : vector<256x2xf32> to vector<256x1xf32>
    %slice3A_916 = vector.extract_strided_slice %get3A_851 {offsets = [0, 1], sizes = [256, 1], strides = [1, 1]} : vector<256x2xf32> to vector<256x1xf32>
    %mul3A_917 = arith.mulf %slice3A_913, %slice3A_915 : vector<256x1xf32>
    %mul3A_918 = arith.mulf %slice3A_914, %slice3A_916 : vector<256x1xf32>
    %add3A_919 = arith.addf %mul3A_917, %mul3A_918 : vector<256x1xf32>
    %reduce_sum3A_920 = vector.shape_cast %add3A_919 : vector<256x1xf32> to vector<1x256x1xf32>
    %reduce_sum3A_921 = arith.constant dense<0.000000e+00> : vector<1xf32>
    %reduce_sum3A_922 = vector.multi_reduction <add>, %reduce_sum3A_920, %reduce_sum3A_921 [1, 2] : vector<1x256x1xf32> to vector<1xf32>
    %reduce_sum3A_923 = vector.shape_cast %reduce_sum3A_922 : vector<1xf32> to vector<1x1x1xf32>
    %reduce_sum3A_924 = vector.extract %reduce_sum3A_923[0, 0, 0] : f32 from vector<1x1x1xf32>
    %mul3A_925 = arith.mulf %slice3A_913, %slice3A_916 : vector<256x1xf32>
    %mul3A_926 = arith.mulf %slice3A_914, %slice3A_915 : vector<256x1xf32>
    %sub3A_927 = arith.subf %mul3A_925, %mul3A_926 : vector<256x1xf32>
    %reduce_sum3A_928 = vector.shape_cast %sub3A_927 : vector<256x1xf32> to vector<1x256x1xf32>
    %reduce_sum3A_929 = arith.constant dense<0.000000e+00> : vector<1xf32>
    %reduce_sum3A_930 = vector.multi_reduction <add>, %reduce_sum3A_928, %reduce_sum3A_929 [1, 2] : vector<1x256x1xf32> to vector<1xf32>
    %reduce_sum3A_931 = vector.shape_cast %reduce_sum3A_930 : vector<1xf32> to vector<1x1x1xf32>
    %reduce_sum3A_932 = vector.extract %reduce_sum3A_931[0, 0, 0] : f32 from vector<1x1x1xf32>
    %mul3A_933 = arith.constant 2 : i32
    %mul3A_934 = arith.muli %mul3A_933, %get3A_832 : i32
    %eq3A_935 = vector.broadcast %mul3A_934 : i32 to vector<128x1xi32>
    %eq3A_936 = arith.cmpi eq, %iota3A, %eq3A_935 : vector<128x1xi32>
    %mul3A_937 = arith.constant 2 : i32
    %mul3A_938 = arith.muli %mul3A_937, %get3A_832 : i32
    %add3A_939 = arith.constant 1 : i32
    %add3A_940 = arith.addi %mul3A_938, %add3A_939 : i32
    %eq3A_941 = vector.broadcast %add3A_940 : i32 to vector<128x1xi32>
    %eq3A_942 = arith.cmpi eq, %iota3A, %eq3A_941 : vector<128x1xi32>
    %broadcast_in_dim3A_943 = vector.broadcast %reduce_sum3A_932 : f32 to vector<128x1xf32>
    %select_n3A_944 = arith.select %eq3A_942, %broadcast_in_dim3A_943, %select_n3A_864 : vector<128x1xi1>, vector<128x1xf32>
    %broadcast_in_dim3A_945 = vector.broadcast %reduce_sum3A_924 : f32 to vector<128x1xf32>
    %select_n3A_946 = arith.select %eq3A_936, %broadcast_in_dim3A_945, %select_n3A_944 : vector<128x1xi1>, vector<128x1xf32>
    %get3A_947 = arith.constant 0 : index
    %get3A_948 = arith.constant 5 : index
    %get3A_949 = arith.constant 0 : index
    %get3A_950 = arith.constant 0 : index
    %get3A_951 = vector.load %arg4[%get3A_947, %get3A_948, %get3A_949, %get3A_950] : memref<1x8x256x128xf32, #tpu.memory_space<vmem>>, vector<1x1x256x128xf32>
    %get3A_952 = vector.shape_cast %get3A_951 : vector<1x1x256x128xf32> to vector<256x128xf32>
    %get3A_953 = arith.constant 0 : index
    %get3A_954 = arith.constant 5 : index
    %get3A_955 = arith.constant 0 : index
    %get3A_956 = arith.constant 0 : index
    %get3A_957 = vector.load %arg6[%get3A_953, %get3A_954, %get3A_955, %get3A_956] : memref<1x8x256x2xf32, #tpu.memory_space<vmem>>, vector<1x1x256x2xf32>
    %get3A_958 = vector.shape_cast %get3A_957 : vector<1x1x256x2xf32> to vector<256x2xf32>
    %slice3A_959 = vector.extract_strided_slice %get3A_958 {offsets = [0, 0], sizes = [256, 1], strides = [1, 1]} : vector<256x2xf32> to vector<256x1xf32>
    %slice3A_960 = vector.extract_strided_slice %get3A_958 {offsets = [0, 1], sizes = [256, 1], strides = [1, 1]} : vector<256x2xf32> to vector<256x1xf32>
    %broadcast_in_dim3A_961 = vector.shape_cast %slice3A_960 : vector<256x1xf32> to vector<256x1xf32>
    %broadcast_in_dim3A_962 = vector.broadcast %broadcast_in_dim3A_961 : vector<256x1xf32> to vector<256x128xf32>
    %select_n3A_963 = arith.select %eq3A_897, %broadcast_in_dim3A_962, %get3A_952 : vector<256x128xi1>, vector<256x128xf32>
    %broadcast_in_dim3A_964 = vector.shape_cast %slice3A_959 : vector<256x1xf32> to vector<256x1xf32>
    %broadcast_in_dim3A_965 = vector.broadcast %broadcast_in_dim3A_964 : vector<256x1xf32> to vector<256x128xf32>
    %select_n3A_966 = arith.select %eq3A_891, %broadcast_in_dim3A_965, %select_n3A_963 : vector<256x128xi1>, vector<256x128xf32>
    %mul3A_967 = vector.broadcast %min3A_839 : f32 to vector<256x128xf32>
    %mul3A_968 = arith.mulf %mul3A_967, %select_n3A_966 : vector<256x128xf32>
    %swap3A_969 = arith.constant 0 : index
    %swap3A_970 = arith.constant 5 : index
    %swap3A_971 = arith.constant 0 : index
    %swap3A_972 = arith.constant 0 : index
    %swap3A_973 = vector.load %arg9[%swap3A_969, %swap3A_970, %swap3A_971, %swap3A_972] : memref<1x8x256x128xf32, #tpu.memory_space<vmem>>, vector<1x1x256x128xf32>
    %swap3A_974 = vector.shape_cast %swap3A_973 : vector<1x1x256x128xf32> to vector<256x128xf32>
    %swap3A_975 = vector.shape_cast %mul3A_968 : vector<256x128xf32> to vector<1x1x256x128xf32>
    tpu.vector_store %arg9[%swap3A_969, %swap3A_970, %swap3A_971, %swap3A_972], %swap3A_975 {strides = array<i32>} : memref<1x8x256x128xf32, #tpu.memory_space<vmem>>, vector<1x1x256x128xf32>,
    %slice3A_976 = vector.extract_strided_slice %select_n3A_946 {offsets = [1, 0], sizes = [127, 1], strides = [1, 1]} : vector<128x1xf32> to vector<127x1xf32>
    %slice3A_977 = vector.extract_strided_slice %select_n3A_946 {offsets = [0, 0], sizes = [1, 1], strides = [1, 1]} : vector<128x1xf32> to vector<1x1xf32>
    %concatenate3A_978 = tpu.concatenate %slice3A_976, %slice3A_977 in 0 : vector<127x1xf32>, vector<1x1xf32> -> vector<128x1xf32>
    %slice3A_979 = vector.extract_strided_slice %select_n3A_946 {offsets = [127, 0], sizes = [1, 1], strides = [1, 1]} : vector<128x1xf32> to vector<1x1xf32>
    %slice3A_980 = vector.extract_strided_slice %select_n3A_946 {offsets = [0, 0], sizes = [127, 1], strides = [1, 1]} : vector<128x1xf32> to vector<127x1xf32>
    %concatenate3A_981 = tpu.concatenate %slice3A_979, %slice3A_980 in 0 : vector<1x1xf32>, vector<127x1xf32> -> vector<128x1xf32>
    %select_n3A_982 = arith.select %eq3A_16, %concatenate3A_978, %concatenate3A_981 : vector<128x1xi1>, vector<128x1xf32>
    %mul3A_983 = arith.mulf %select_n3A_946, %select_n3A_20 : vector<128x1xf32>
    %concatenate3A_984 = tpu.concatenate %mul3A_983, %select_n3A_982 in 1 : vector<128x1xf32>, vector<128x1xf32> -> vector<128x2xf32>
    %dot_general3A_985 = arith.constant dense<0.000000e+00> : vector<256x2xf32>
    %dot_general3A_986 = tpu.matmul %mul3A_968, %concatenate3A_984, %dot_general3A_985 {dimension_numbers = #tpu.dot_dimension_numbers<[1], [0], [0], [1], [0, 0, 1, 1], [], []>, transpose_lhs_hint = false} : vector<256x128xf32>, vector<128x2xf32>, vector<256x2xf32> -> vector<256x2xf32>
    %swap3A_987 = arith.constant 0 : index
    %swap3A_988 = arith.constant 5 : index
    %swap3A_989 = arith.constant 0 : index
    %swap3A_990 = arith.constant 0 : index
    %swap3A_991 = vector.load %arg7[%swap3A_987, %swap3A_988, %swap3A_989, %swap3A_990] : memref<1x8x256x2xf32, #tpu.memory_space<vmem>>, vector<1x1x256x2xf32>
    %swap3A_992 = vector.shape_cast %swap3A_991 : vector<1x1x256x2xf32> to vector<256x2xf32>
    %swap3A_993 = vector.shape_cast %dot_general3A_986 : vector<256x2xf32> to vector<1x1x256x2xf32>
    tpu.vector_store %arg7[%swap3A_987, %swap3A_988, %swap3A_989, %swap3A_990], %swap3A_993 {strides = array<i32>} : memref<1x8x256x2xf32, #tpu.memory_space<vmem>>, vector<1x1x256x2xf32>,
    %get3A_994 = arith.index_cast %arg0 : i32 to index
    %get3A_995 = arith.constant 6 : index
    %get3A_996 = memref.load %arg1[%get3A_994, %get3A_995] : memref<64x8xi32, #tpu.memory_space<smem>>
    %get3A_997 = arith.index_cast %arg0 : i32 to index
    %get3A_998 = arith.constant 6 : index
    %get3A_999 = memref.load %arg2[%get3A_997, %get3A_998] : memref<64x8xf32, #tpu.memory_space<smem>>
    %jit3A_1000 = arith.constant 0.000000e+00 : f32
    %jit3A_1001 = arith.constant 1.000000e+00 : f32
    %max3A_1002 = arith.maximumf %jit3A_1000, %get3A_999 : f32
    %min3A_1003 = arith.minimumf %jit3A_1001, %max3A_1002 : f32
    %get3A_1004 = arith.constant 0 : index
    %get3A_1005 = arith.constant 6 : index
    %get3A_1006 = arith.constant 0 : index
    %get3A_1007 = arith.constant 0 : index
    %get3A_1008 = vector.load %arg3[%get3A_1004, %get3A_1005, %get3A_1006, %get3A_1007] : memref<1x8x256x128xf32, #tpu.memory_space<vmem>>, vector<1x1x256x128xf32>
    %get3A_1009 = vector.shape_cast %get3A_1008 : vector<1x1x256x128xf32> to vector<256x128xf32>
    %get3A_1010 = arith.constant 0 : index
    %get3A_1011 = arith.constant 6 : index
    %get3A_1012 = arith.constant 0 : index
    %get3A_1013 = arith.constant 0 : index
    %get3A_1014 = vector.load %arg5[%get3A_1010, %get3A_1011, %get3A_1012, %get3A_1013] : memref<1x8x256x2xf32, #tpu.memory_space<vmem>>, vector<1x1x256x2xf32>
    %get3A_1015 = vector.shape_cast %get3A_1014 : vector<1x1x256x2xf32> to vector<256x2xf32>
    %dot_general3A_1016 = arith.constant dense<0.000000e+00> : vector<128x2xf32>
    %dot_general3A_1017 = tpu.matmul %get3A_1009, %get3A_1015, %dot_general3A_1016 {dimension_numbers = #tpu.dot_dimension_numbers<[0], [0], [1], [1], [0, 1, 1, 1], [], []>, transpose_lhs_hint = false} : vector<256x128xf32>, vector<256x2xf32>, vector<128x2xf32> -> vector<128x2xf32>
    %slice3A_1018 = vector.extract_strided_slice %dot_general3A_1017 {offsets = [0, 0], sizes = [128, 1], strides = [1, 1]} : vector<128x2xf32> to vector<128x1xf32>
    %slice3A_1019 = vector.extract_strided_slice %dot_general3A_1017 {offsets = [0, 1], sizes = [128, 1], strides = [1, 1]} : vector<128x2xf32> to vector<128x1xf32>
    %slice3A_1020 = vector.extract_strided_slice %slice3A_1019 {offsets = [1, 0], sizes = [127, 1], strides = [1, 1]} : vector<128x1xf32> to vector<127x1xf32>
    %slice3A_1021 = vector.extract_strided_slice %slice3A_1019 {offsets = [0, 0], sizes = [1, 1], strides = [1, 1]} : vector<128x1xf32> to vector<1x1xf32>
    %concatenate3A_1022 = tpu.concatenate %slice3A_1020, %slice3A_1021 in 0 : vector<127x1xf32>, vector<1x1xf32> -> vector<128x1xf32>
    %add3A_1023 = arith.addf %slice3A_1018, %concatenate3A_1022 : vector<128x1xf32>
    %slice3A_1024 = vector.extract_strided_slice %slice3A_1019 {offsets = [127, 0], sizes = [1, 1], strides = [1, 1]} : vector<128x1xf32> to vector<1x1xf32>
    %slice3A_1025 = vector.extract_strided_slice %slice3A_1019 {offsets = [0, 0], sizes = [127, 1], strides = [1, 1]} : vector<128x1xf32> to vector<127x1xf32>
    %concatenate3A_1026 = tpu.concatenate %slice3A_1024, %slice3A_1025 in 0 : vector<1x1xf32>, vector<127x1xf32> -> vector<128x1xf32>
    %sub3A_1027 = arith.subf %concatenate3A_1026, %slice3A_1018 : vector<128x1xf32>
    %select_n3A_1028 = arith.select %eq3A_16, %add3A_1023, %sub3A_1027 : vector<128x1xi1>, vector<128x1xf32>
    %slice3A_1029 = vector.extract_strided_slice %select_n3A_1028 {offsets = [1, 0], sizes = [127, 1], strides = [1, 1]} : vector<128x1xf32> to vector<127x1xf32>
    %slice3A_1030 = vector.extract_strided_slice %select_n3A_1028 {offsets = [0, 0], sizes = [1, 1], strides = [1, 1]} : vector<128x1xf32> to vector<1x1xf32>
    %concatenate3A_1031 = tpu.concatenate %slice3A_1029, %slice3A_1030 in 0 : vector<127x1xf32>, vector<1x1xf32> -> vector<128x1xf32>
    %slice3A_1032 = vector.extract_strided_slice %select_n3A_1028 {offsets = [127, 0], sizes = [1, 1], strides = [1, 1]} : vector<128x1xf32> to vector<1x1xf32>
    %slice3A_1033 = vector.extract_strided_slice %select_n3A_1028 {offsets = [0, 0], sizes = [127, 1], strides = [1, 1]} : vector<128x1xf32> to vector<127x1xf32>
    %concatenate3A_1034 = tpu.concatenate %slice3A_1032, %slice3A_1033 in 0 : vector<1x1xf32>, vector<127x1xf32> -> vector<128x1xf32>
    %select_n3A_1035 = arith.select %eq3A_16, %concatenate3A_1031, %concatenate3A_1034 : vector<128x1xi1>, vector<128x1xf32>
    %mul3A_1036 = arith.mulf %select_n3A_1028, %select_n3A_20 : vector<128x1xf32>
    %concatenate3A_1037 = tpu.concatenate %mul3A_1036, %select_n3A_1035 in 1 : vector<128x1xf32>, vector<128x1xf32> -> vector<128x2xf32>
    %dot_general3A_1038 = arith.constant dense<0.000000e+00> : vector<256x2xf32>
    %dot_general3A_1039 = tpu.matmul %get3A_1009, %concatenate3A_1037, %dot_general3A_1038 {dimension_numbers = #tpu.dot_dimension_numbers<[1], [0], [0], [1], [0, 0, 1, 1], [], []>, transpose_lhs_hint = false} : vector<256x128xf32>, vector<128x2xf32>, vector<256x2xf32> -> vector<256x2xf32>
    %sub3A_1040 = arith.subf %get3A_1015, %dot_general3A_1039 : vector<256x2xf32>
    %mul3A_1041 = arith.mulf %sub3A_1040, %sub3A_1040 : vector<256x2xf32>
    %reduce_sum3A_1042 = vector.shape_cast %mul3A_1041 : vector<256x2xf32> to vector<1x256x2xf32>
    %reduce_sum3A_1043 = arith.constant dense<0.000000e+00> : vector<1xf32>
    %reduce_sum3A_1044 = vector.multi_reduction <add>, %reduce_sum3A_1042, %reduce_sum3A_1043 [1, 2] : vector<1x256x2xf32> to vector<1xf32>
    %reduce_sum3A_1045 = vector.shape_cast %reduce_sum3A_1044 : vector<1xf32> to vector<1x1x1xf32>
    %reduce_sum3A_1046 = vector.extract %reduce_sum3A_1045[0, 0, 0] : f32 from vector<1x1x1xf32>
    %max3A_1047 = arith.constant 9.99999996E-13 : f32
    %max3A_1048 = arith.maximumf %reduce_sum3A_1046, %max3A_1047 : f32
    %sqrt3A_1049 = math.sqrt %max3A_1048 : f32
    %div3A_1050 = vector.broadcast %sqrt3A_1049 : f32 to vector<256x2xf32>
    %div3A_1051 = arith.divf %sub3A_1040, %div3A_1050 : vector<256x2xf32>
    %mul3A_1052 = arith.constant 2 : i32
    %mul3A_1053 = arith.muli %mul3A_1052, %get3A_996 : i32
    %eq3A_1054 = vector.broadcast %mul3A_1053 : i32 to vector<256x128xi32>
    %eq3A_1055 = arith.cmpi eq, %iota3A_21, %eq3A_1054 : vector<256x128xi32>
    %mul3A_1056 = arith.constant 2 : i32
    %mul3A_1057 = arith.muli %mul3A_1056, %get3A_996 : i32
    %add3A_1058 = arith.constant 1 : i32
    %add3A_1059 = arith.addi %mul3A_1057, %add3A_1058 : i32
    %eq3A_1060 = vector.broadcast %add3A_1059 : i32 to vector<256x128xi32>
    %eq3A_1061 = arith.cmpi eq, %iota3A_21, %eq3A_1060 : vector<256x128xi32>
    %slice3A_1062 = vector.extract_strided_slice %div3A_1051 {offsets = [0, 0], sizes = [256, 1], strides = [1, 1]} : vector<256x2xf32> to vector<256x1xf32>
    %slice3A_1063 = vector.extract_strided_slice %div3A_1051 {offsets = [0, 1], sizes = [256, 1], strides = [1, 1]} : vector<256x2xf32> to vector<256x1xf32>
    %broadcast_in_dim3A_1064 = vector.shape_cast %slice3A_1063 : vector<256x1xf32> to vector<256x1xf32>
    %broadcast_in_dim3A_1065 = vector.broadcast %broadcast_in_dim3A_1064 : vector<256x1xf32> to vector<256x128xf32>
    %select_n3A_1066 = arith.select %eq3A_1061, %broadcast_in_dim3A_1065, %get3A_1009 : vector<256x128xi1>, vector<256x128xf32>
    %broadcast_in_dim3A_1067 = vector.shape_cast %slice3A_1062 : vector<256x1xf32> to vector<256x1xf32>
    %broadcast_in_dim3A_1068 = vector.broadcast %broadcast_in_dim3A_1067 : vector<256x1xf32> to vector<256x128xf32>
    %select_n3A_1069 = arith.select %eq3A_1055, %broadcast_in_dim3A_1068, %select_n3A_1066 : vector<256x128xi1>, vector<256x128xf32>
    %swap3A_1070 = arith.constant 0 : index
    %swap3A_1071 = arith.constant 6 : index
    %swap3A_1072 = arith.constant 0 : index
    %swap3A_1073 = arith.constant 0 : index
    %swap3A_1074 = vector.load %arg8[%swap3A_1070, %swap3A_1071, %swap3A_1072, %swap3A_1073] : memref<1x8x256x128xf32, #tpu.memory_space<vmem>>, vector<1x1x256x128xf32>
    %swap3A_1075 = vector.shape_cast %swap3A_1074 : vector<1x1x256x128xf32> to vector<256x128xf32>
    %swap3A_1076 = vector.shape_cast %select_n3A_1069 : vector<256x128xf32> to vector<1x1x256x128xf32>
    tpu.vector_store %arg8[%swap3A_1070, %swap3A_1071, %swap3A_1072, %swap3A_1073], %swap3A_1076 {strides = array<i32>} : memref<1x8x256x128xf32, #tpu.memory_space<vmem>>, vector<1x1x256x128xf32>,
    %slice3A_1077 = vector.extract_strided_slice %div3A_1051 {offsets = [0, 0], sizes = [256, 1], strides = [1, 1]} : vector<256x2xf32> to vector<256x1xf32>
    %slice3A_1078 = vector.extract_strided_slice %div3A_1051 {offsets = [0, 1], sizes = [256, 1], strides = [1, 1]} : vector<256x2xf32> to vector<256x1xf32>
    %slice3A_1079 = vector.extract_strided_slice %get3A_1015 {offsets = [0, 0], sizes = [256, 1], strides = [1, 1]} : vector<256x2xf32> to vector<256x1xf32>
    %slice3A_1080 = vector.extract_strided_slice %get3A_1015 {offsets = [0, 1], sizes = [256, 1], strides = [1, 1]} : vector<256x2xf32> to vector<256x1xf32>
    %mul3A_1081 = arith.mulf %slice3A_1077, %slice3A_1079 : vector<256x1xf32>
    %mul3A_1082 = arith.mulf %slice3A_1078, %slice3A_1080 : vector<256x1xf32>
    %add3A_1083 = arith.addf %mul3A_1081, %mul3A_1082 : vector<256x1xf32>
    %reduce_sum3A_1084 = vector.shape_cast %add3A_1083 : vector<256x1xf32> to vector<1x256x1xf32>
    %reduce_sum3A_1085 = arith.constant dense<0.000000e+00> : vector<1xf32>
    %reduce_sum3A_1086 = vector.multi_reduction <add>, %reduce_sum3A_1084, %reduce_sum3A_1085 [1, 2] : vector<1x256x1xf32> to vector<1xf32>
    %reduce_sum3A_1087 = vector.shape_cast %reduce_sum3A_1086 : vector<1xf32> to vector<1x1x1xf32>
    %reduce_sum3A_1088 = vector.extract %reduce_sum3A_1087[0, 0, 0] : f32 from vector<1x1x1xf32>
    %mul3A_1089 = arith.mulf %slice3A_1077, %slice3A_1080 : vector<256x1xf32>
    %mul3A_1090 = arith.mulf %slice3A_1078, %slice3A_1079 : vector<256x1xf32>
    %sub3A_1091 = arith.subf %mul3A_1089, %mul3A_1090 : vector<256x1xf32>
    %reduce_sum3A_1092 = vector.shape_cast %sub3A_1091 : vector<256x1xf32> to vector<1x256x1xf32>
    %reduce_sum3A_1093 = arith.constant dense<0.000000e+00> : vector<1xf32>
    %reduce_sum3A_1094 = vector.multi_reduction <add>, %reduce_sum3A_1092, %reduce_sum3A_1093 [1, 2] : vector<1x256x1xf32> to vector<1xf32>
    %reduce_sum3A_1095 = vector.shape_cast %reduce_sum3A_1094 : vector<1xf32> to vector<1x1x1xf32>
    %reduce_sum3A_1096 = vector.extract %reduce_sum3A_1095[0, 0, 0] : f32 from vector<1x1x1xf32>
    %mul3A_1097 = arith.constant 2 : i32
    %mul3A_1098 = arith.muli %mul3A_1097, %get3A_996 : i32
    %eq3A_1099 = vector.broadcast %mul3A_1098 : i32 to vector<128x1xi32>
    %eq3A_1100 = arith.cmpi eq, %iota3A, %eq3A_1099 : vector<128x1xi32>
    %mul3A_1101 = arith.constant 2 : i32
    %mul3A_1102 = arith.muli %mul3A_1101, %get3A_996 : i32
    %add3A_1103 = arith.constant 1 : i32
    %add3A_1104 = arith.addi %mul3A_1102, %add3A_1103 : i32
    %eq3A_1105 = vector.broadcast %add3A_1104 : i32 to vector<128x1xi32>
    %eq3A_1106 = arith.cmpi eq, %iota3A, %eq3A_1105 : vector<128x1xi32>
    %broadcast_in_dim3A_1107 = vector.broadcast %reduce_sum3A_1096 : f32 to vector<128x1xf32>
    %select_n3A_1108 = arith.select %eq3A_1106, %broadcast_in_dim3A_1107, %select_n3A_1028 : vector<128x1xi1>, vector<128x1xf32>
    %broadcast_in_dim3A_1109 = vector.broadcast %reduce_sum3A_1088 : f32 to vector<128x1xf32>
    %select_n3A_1110 = arith.select %eq3A_1100, %broadcast_in_dim3A_1109, %select_n3A_1108 : vector<128x1xi1>, vector<128x1xf32>
    %get3A_1111 = arith.constant 0 : index
    %get3A_1112 = arith.constant 6 : index
    %get3A_1113 = arith.constant 0 : index
    %get3A_1114 = arith.constant 0 : index
    %get3A_1115 = vector.load %arg4[%get3A_1111, %get3A_1112, %get3A_1113, %get3A_1114] : memref<1x8x256x128xf32, #tpu.memory_space<vmem>>, vector<1x1x256x128xf32>
    %get3A_1116 = vector.shape_cast %get3A_1115 : vector<1x1x256x128xf32> to vector<256x128xf32>
    %get3A_1117 = arith.constant 0 : index
    %get3A_1118 = arith.constant 6 : index
    %get3A_1119 = arith.constant 0 : index
    %get3A_1120 = arith.constant 0 : index
    %get3A_1121 = vector.load %arg6[%get3A_1117, %get3A_1118, %get3A_1119, %get3A_1120] : memref<1x8x256x2xf32, #tpu.memory_space<vmem>>, vector<1x1x256x2xf32>
    %get3A_1122 = vector.shape_cast %get3A_1121 : vector<1x1x256x2xf32> to vector<256x2xf32>
    %slice3A_1123 = vector.extract_strided_slice %get3A_1122 {offsets = [0, 0], sizes = [256, 1], strides = [1, 1]} : vector<256x2xf32> to vector<256x1xf32>
    %slice3A_1124 = vector.extract_strided_slice %get3A_1122 {offsets = [0, 1], sizes = [256, 1], strides = [1, 1]} : vector<256x2xf32> to vector<256x1xf32>
    %broadcast_in_dim3A_1125 = vector.shape_cast %slice3A_1124 : vector<256x1xf32> to vector<256x1xf32>
    %broadcast_in_dim3A_1126 = vector.broadcast %broadcast_in_dim3A_1125 : vector<256x1xf32> to vector<256x128xf32>
    %select_n3A_1127 = arith.select %eq3A_1061, %broadcast_in_dim3A_1126, %get3A_1116 : vector<256x128xi1>, vector<256x128xf32>
    %broadcast_in_dim3A_1128 = vector.shape_cast %slice3A_1123 : vector<256x1xf32> to vector<256x1xf32>
    %broadcast_in_dim3A_1129 = vector.broadcast %broadcast_in_dim3A_1128 : vector<256x1xf32> to vector<256x128xf32>
    %select_n3A_1130 = arith.select %eq3A_1055, %broadcast_in_dim3A_1129, %select_n3A_1127 : vector<256x128xi1>, vector<256x128xf32>
    %mul3A_1131 = vector.broadcast %min3A_1003 : f32 to vector<256x128xf32>
    %mul3A_1132 = arith.mulf %mul3A_1131, %select_n3A_1130 : vector<256x128xf32>
    %swap3A_1133 = arith.constant 0 : index
    %swap3A_1134 = arith.constant 6 : index
    %swap3A_1135 = arith.constant 0 : index
    %swap3A_1136 = arith.constant 0 : index
    %swap3A_1137 = vector.load %arg9[%swap3A_1133, %swap3A_1134, %swap3A_1135, %swap3A_1136] : memref<1x8x256x128xf32, #tpu.memory_space<vmem>>, vector<1x1x256x128xf32>
    %swap3A_1138 = vector.shape_cast %swap3A_1137 : vector<1x1x256x128xf32> to vector<256x128xf32>
    %swap3A_1139 = vector.shape_cast %mul3A_1132 : vector<256x128xf32> to vector<1x1x256x128xf32>
    tpu.vector_store %arg9[%swap3A_1133, %swap3A_1134, %swap3A_1135, %swap3A_1136], %swap3A_1139 {strides = array<i32>} : memref<1x8x256x128xf32, #tpu.memory_space<vmem>>, vector<1x1x256x128xf32>,
    %slice3A_1140 = vector.extract_strided_slice %select_n3A_1110 {offsets = [1, 0], sizes = [127, 1], strides = [1, 1]} : vector<128x1xf32> to vector<127x1xf32>
    %slice3A_1141 = vector.extract_strided_slice %select_n3A_1110 {offsets = [0, 0], sizes = [1, 1], strides = [1, 1]} : vector<128x1xf32> to vector<1x1xf32>
    %concatenate3A_1142 = tpu.concatenate %slice3A_1140, %slice3A_1141 in 0 : vector<127x1xf32>, vector<1x1xf32> -> vector<128x1xf32>
    %slice3A_1143 = vector.extract_strided_slice %select_n3A_1110 {offsets = [127, 0], sizes = [1, 1], strides = [1, 1]} : vector<128x1xf32> to vector<1x1xf32>
    %slice3A_1144 = vector.extract_strided_slice %select_n3A_1110 {offsets = [0, 0], sizes = [127, 1], strides = [1, 1]} : vector<128x1xf32> to vector<127x1xf32>
    %concatenate3A_1145 = tpu.concatenate %slice3A_1143, %slice3A_1144 in 0 : vector<1x1xf32>, vector<127x1xf32> -> vector<128x1xf32>
    %select_n3A_1146 = arith.select %eq3A_16, %concatenate3A_1142, %concatenate3A_1145 : vector<128x1xi1>, vector<128x1xf32>
    %mul3A_1147 = arith.mulf %select_n3A_1110, %select_n3A_20 : vector<128x1xf32>
    %concatenate3A_1148 = tpu.concatenate %mul3A_1147, %select_n3A_1146 in 1 : vector<128x1xf32>, vector<128x1xf32> -> vector<128x2xf32>
    %dot_general3A_1149 = arith.constant dense<0.000000e+00> : vector<256x2xf32>
    %dot_general3A_1150 = tpu.matmul %mul3A_1132, %concatenate3A_1148, %dot_general3A_1149 {dimension_numbers = #tpu.dot_dimension_numbers<[1], [0], [0], [1], [0, 0, 1, 1], [], []>, transpose_lhs_hint = false} : vector<256x128xf32>, vector<128x2xf32>, vector<256x2xf32> -> vector<256x2xf32>
    %swap3A_1151 = arith.constant 0 : index
    %swap3A_1152 = arith.constant 6 : index
    %swap3A_1153 = arith.constant 0 : index
    %swap3A_1154 = arith.constant 0 : index
    %swap3A_1155 = vector.load %arg7[%swap3A_1151, %swap3A_1152, %swap3A_1153, %swap3A_1154] : memref<1x8x256x2xf32, #tpu.memory_space<vmem>>, vector<1x1x256x2xf32>
    %swap3A_1156 = vector.shape_cast %swap3A_1155 : vector<1x1x256x2xf32> to vector<256x2xf32>
    %swap3A_1157 = vector.shape_cast %dot_general3A_1150 : vector<256x2xf32> to vector<1x1x256x2xf32>
    tpu.vector_store %arg7[%swap3A_1151, %swap3A_1152, %swap3A_1153, %swap3A_1154], %swap3A_1157 {strides = array<i32>} : memref<1x8x256x2xf32, #tpu.memory_space<vmem>>, vector<1x1x256x2xf32>,
    %get3A_1158 = arith.index_cast %arg0 : i32 to index
    %get3A_1159 = arith.constant 7 : index
    %get3A_1160 = memref.load %arg1[%get3A_1158, %get3A_1159] : memref<64x8xi32, #tpu.memory_space<smem>>
    %get3A_1161 = arith.index_cast %arg0 : i32 to index
    %get3A_1162 = arith.constant 7 : index
    %get3A_1163 = memref.load %arg2[%get3A_1161, %get3A_1162] : memref<64x8xf32, #tpu.memory_space<smem>>
    %jit3A_1164 = arith.constant 0.000000e+00 : f32
    %jit3A_1165 = arith.constant 1.000000e+00 : f32
    %max3A_1166 = arith.maximumf %jit3A_1164, %get3A_1163 : f32
    %min3A_1167 = arith.minimumf %jit3A_1165, %max3A_1166 : f32
    %get3A_1168 = arith.constant 0 : index
    %get3A_1169 = arith.constant 7 : index
    %get3A_1170 = arith.constant 0 : index
    %get3A_1171 = arith.constant 0 : index
    %get3A_1172 = vector.load %arg3[%get3A_1168, %get3A_1169, %get3A_1170, %get3A_1171] : memref<1x8x256x128xf32, #tpu.memory_space<vmem>>, vector<1x1x256x128xf32>
    %get3A_1173 = vector.shape_cast %get3A_1172 : vector<1x1x256x128xf32> to vector<256x128xf32>
    %get3A_1174 = arith.constant 0 : index
    %get3A_1175 = arith.constant 7 : index
    %get3A_1176 = arith.constant 0 : index
    %get3A_1177 = arith.constant 0 : index
    %get3A_1178 = vector.load %arg5[%get3A_1174, %get3A_1175, %get3A_1176, %get3A_1177] : memref<1x8x256x2xf32, #tpu.memory_space<vmem>>, vector<1x1x256x2xf32>
    %get3A_1179 = vector.shape_cast %get3A_1178 : vector<1x1x256x2xf32> to vector<256x2xf32>
    %dot_general3A_1180 = arith.constant dense<0.000000e+00> : vector<128x2xf32>
    %dot_general3A_1181 = tpu.matmul %get3A_1173, %get3A_1179, %dot_general3A_1180 {dimension_numbers = #tpu.dot_dimension_numbers<[0], [0], [1], [1], [0, 1, 1, 1], [], []>, transpose_lhs_hint = false} : vector<256x128xf32>, vector<256x2xf32>, vector<128x2xf32> -> vector<128x2xf32>
    %slice3A_1182 = vector.extract_strided_slice %dot_general3A_1181 {offsets = [0, 0], sizes = [128, 1], strides = [1, 1]} : vector<128x2xf32> to vector<128x1xf32>
    %slice3A_1183 = vector.extract_strided_slice %dot_general3A_1181 {offsets = [0, 1], sizes = [128, 1], strides = [1, 1]} : vector<128x2xf32> to vector<128x1xf32>
    %slice3A_1184 = vector.extract_strided_slice %slice3A_1183 {offsets = [1, 0], sizes = [127, 1], strides = [1, 1]} : vector<128x1xf32> to vector<127x1xf32>
    %slice3A_1185 = vector.extract_strided_slice %slice3A_1183 {offsets = [0, 0], sizes = [1, 1], strides = [1, 1]} : vector<128x1xf32> to vector<1x1xf32>
    %concatenate3A_1186 = tpu.concatenate %slice3A_1184, %slice3A_1185 in 0 : vector<127x1xf32>, vector<1x1xf32> -> vector<128x1xf32>
    %add3A_1187 = arith.addf %slice3A_1182, %concatenate3A_1186 : vector<128x1xf32>
    %slice3A_1188 = vector.extract_strided_slice %slice3A_1183 {offsets = [127, 0], sizes = [1, 1], strides = [1, 1]} : vector<128x1xf32> to vector<1x1xf32>
    %slice3A_1189 = vector.extract_strided_slice %slice3A_1183 {offsets = [0, 0], sizes = [127, 1], strides = [1, 1]} : vector<128x1xf32> to vector<127x1xf32>
    %concatenate3A_1190 = tpu.concatenate %slice3A_1188, %slice3A_1189 in 0 : vector<1x1xf32>, vector<127x1xf32> -> vector<128x1xf32>
    %sub3A_1191 = arith.subf %concatenate3A_1190, %slice3A_1182 : vector<128x1xf32>
    %select_n3A_1192 = arith.select %eq3A_16, %add3A_1187, %sub3A_1191 : vector<128x1xi1>, vector<128x1xf32>
    %slice3A_1193 = vector.extract_strided_slice %select_n3A_1192 {offsets = [1, 0], sizes = [127, 1], strides = [1, 1]} : vector<128x1xf32> to vector<127x1xf32>
    %slice3A_1194 = vector.extract_strided_slice %select_n3A_1192 {offsets = [0, 0], sizes = [1, 1], strides = [1, 1]} : vector<128x1xf32> to vector<1x1xf32>
    %concatenate3A_1195 = tpu.concatenate %slice3A_1193, %slice3A_1194 in 0 : vector<127x1xf32>, vector<1x1xf32> -> vector<128x1xf32>
    %slice3A_1196 = vector.extract_strided_slice %select_n3A_1192 {offsets = [127, 0], sizes = [1, 1], strides = [1, 1]} : vector<128x1xf32> to vector<1x1xf32>
    %slice3A_1197 = vector.extract_strided_slice %select_n3A_1192 {offsets = [0, 0], sizes = [127, 1], strides = [1, 1]} : vector<128x1xf32> to vector<127x1xf32>
    %concatenate3A_1198 = tpu.concatenate %slice3A_1196, %slice3A_1197 in 0 : vector<1x1xf32>, vector<127x1xf32> -> vector<128x1xf32>
    %select_n3A_1199 = arith.select %eq3A_16, %concatenate3A_1195, %concatenate3A_1198 : vector<128x1xi1>, vector<128x1xf32>
    %mul3A_1200 = arith.mulf %select_n3A_1192, %select_n3A_20 : vector<128x1xf32>
    %concatenate3A_1201 = tpu.concatenate %mul3A_1200, %select_n3A_1199 in 1 : vector<128x1xf32>, vector<128x1xf32> -> vector<128x2xf32>
    %dot_general3A_1202 = arith.constant dense<0.000000e+00> : vector<256x2xf32>
    %dot_general3A_1203 = tpu.matmul %get3A_1173, %concatenate3A_1201, %dot_general3A_1202 {dimension_numbers = #tpu.dot_dimension_numbers<[1], [0], [0], [1], [0, 0, 1, 1], [], []>, transpose_lhs_hint = false} : vector<256x128xf32>, vector<128x2xf32>, vector<256x2xf32> -> vector<256x2xf32>
    %sub3A_1204 = arith.subf %get3A_1179, %dot_general3A_1203 : vector<256x2xf32>
    %mul3A_1205 = arith.mulf %sub3A_1204, %sub3A_1204 : vector<256x2xf32>
    %reduce_sum3A_1206 = vector.shape_cast %mul3A_1205 : vector<256x2xf32> to vector<1x256x2xf32>
    %reduce_sum3A_1207 = arith.constant dense<0.000000e+00> : vector<1xf32>
    %reduce_sum3A_1208 = vector.multi_reduction <add>, %reduce_sum3A_1206, %reduce_sum3A_1207 [1, 2] : vector<1x256x2xf32> to vector<1xf32>
    %reduce_sum3A_1209 = vector.shape_cast %reduce_sum3A_1208 : vector<1xf32> to vector<1x1x1xf32>
    %reduce_sum3A_1210 = vector.extract %reduce_sum3A_1209[0, 0, 0] : f32 from vector<1x1x1xf32>
    %max3A_1211 = arith.constant 9.99999996E-13 : f32
    %max3A_1212 = arith.maximumf %reduce_sum3A_1210, %max3A_1211 : f32
    %sqrt3A_1213 = math.sqrt %max3A_1212 : f32
    %div3A_1214 = vector.broadcast %sqrt3A_1213 : f32 to vector<256x2xf32>
    %div3A_1215 = arith.divf %sub3A_1204, %div3A_1214 : vector<256x2xf32>
    %mul3A_1216 = arith.constant 2 : i32
    %mul3A_1217 = arith.muli %mul3A_1216, %get3A_1160 : i32
    %eq3A_1218 = vector.broadcast %mul3A_1217 : i32 to vector<256x128xi32>
    %eq3A_1219 = arith.cmpi eq, %iota3A_21, %eq3A_1218 : vector<256x128xi32>
    %mul3A_1220 = arith.constant 2 : i32
    %mul3A_1221 = arith.muli %mul3A_1220, %get3A_1160 : i32
    %add3A_1222 = arith.constant 1 : i32
    %add3A_1223 = arith.addi %mul3A_1221, %add3A_1222 : i32
    %eq3A_1224 = vector.broadcast %add3A_1223 : i32 to vector<256x128xi32>
    %eq3A_1225 = arith.cmpi eq, %iota3A_21, %eq3A_1224 : vector<256x128xi32>
    %slice3A_1226 = vector.extract_strided_slice %div3A_1215 {offsets = [0, 0], sizes = [256, 1], strides = [1, 1]} : vector<256x2xf32> to vector<256x1xf32>
    %slice3A_1227 = vector.extract_strided_slice %div3A_1215 {offsets = [0, 1], sizes = [256, 1], strides = [1, 1]} : vector<256x2xf32> to vector<256x1xf32>
    %broadcast_in_dim3A_1228 = vector.shape_cast %slice3A_1227 : vector<256x1xf32> to vector<256x1xf32>
    %broadcast_in_dim3A_1229 = vector.broadcast %broadcast_in_dim3A_1228 : vector<256x1xf32> to vector<256x128xf32>
    %select_n3A_1230 = arith.select %eq3A_1225, %broadcast_in_dim3A_1229, %get3A_1173 : vector<256x128xi1>, vector<256x128xf32>
    %broadcast_in_dim3A_1231 = vector.shape_cast %slice3A_1226 : vector<256x1xf32> to vector<256x1xf32>
    %broadcast_in_dim3A_1232 = vector.broadcast %broadcast_in_dim3A_1231 : vector<256x1xf32> to vector<256x128xf32>
    %select_n3A_1233 = arith.select %eq3A_1219, %broadcast_in_dim3A_1232, %select_n3A_1230 : vector<256x128xi1>, vector<256x128xf32>
    %swap3A_1234 = arith.constant 0 : index
    %swap3A_1235 = arith.constant 7 : index
    %swap3A_1236 = arith.constant 0 : index
    %swap3A_1237 = arith.constant 0 : index
    %swap3A_1238 = vector.load %arg8[%swap3A_1234, %swap3A_1235, %swap3A_1236, %swap3A_1237] : memref<1x8x256x128xf32, #tpu.memory_space<vmem>>, vector<1x1x256x128xf32>
    %swap3A_1239 = vector.shape_cast %swap3A_1238 : vector<1x1x256x128xf32> to vector<256x128xf32>
    %swap3A_1240 = vector.shape_cast %select_n3A_1233 : vector<256x128xf32> to vector<1x1x256x128xf32>
    tpu.vector_store %arg8[%swap3A_1234, %swap3A_1235, %swap3A_1236, %swap3A_1237], %swap3A_1240 {strides = array<i32>} : memref<1x8x256x128xf32, #tpu.memory_space<vmem>>, vector<1x1x256x128xf32>,
    %slice3A_1241 = vector.extract_strided_slice %div3A_1215 {offsets = [0, 0], sizes = [256, 1], strides = [1, 1]} : vector<256x2xf32> to vector<256x1xf32>
    %slice3A_1242 = vector.extract_strided_slice %div3A_1215 {offsets = [0, 1], sizes = [256, 1], strides = [1, 1]} : vector<256x2xf32> to vector<256x1xf32>
    %slice3A_1243 = vector.extract_strided_slice %get3A_1179 {offsets = [0, 0], sizes = [256, 1], strides = [1, 1]} : vector<256x2xf32> to vector<256x1xf32>
    %slice3A_1244 = vector.extract_strided_slice %get3A_1179 {offsets = [0, 1], sizes = [256, 1], strides = [1, 1]} : vector<256x2xf32> to vector<256x1xf32>
    %mul3A_1245 = arith.mulf %slice3A_1241, %slice3A_1243 : vector<256x1xf32>
    %mul3A_1246 = arith.mulf %slice3A_1242, %slice3A_1244 : vector<256x1xf32>
    %add3A_1247 = arith.addf %mul3A_1245, %mul3A_1246 : vector<256x1xf32>
    %reduce_sum3A_1248 = vector.shape_cast %add3A_1247 : vector<256x1xf32> to vector<1x256x1xf32>
    %reduce_sum3A_1249 = arith.constant dense<0.000000e+00> : vector<1xf32>
    %reduce_sum3A_1250 = vector.multi_reduction <add>, %reduce_sum3A_1248, %reduce_sum3A_1249 [1, 2] : vector<1x256x1xf32> to vector<1xf32>
    %reduce_sum3A_1251 = vector.shape_cast %reduce_sum3A_1250 : vector<1xf32> to vector<1x1x1xf32>
    %reduce_sum3A_1252 = vector.extract %reduce_sum3A_1251[0, 0, 0] : f32 from vector<1x1x1xf32>
    %mul3A_1253 = arith.mulf %slice3A_1241, %slice3A_1244 : vector<256x1xf32>
    %mul3A_1254 = arith.mulf %slice3A_1242, %slice3A_1243 : vector<256x1xf32>
    %sub3A_1255 = arith.subf %mul3A_1253, %mul3A_1254 : vector<256x1xf32>
    %reduce_sum3A_1256 = vector.shape_cast %sub3A_1255 : vector<256x1xf32> to vector<1x256x1xf32>
    %reduce_sum3A_1257 = arith.constant dense<0.000000e+00> : vector<1xf32>
    %reduce_sum3A_1258 = vector.multi_reduction <add>, %reduce_sum3A_1256, %reduce_sum3A_1257 [1, 2] : vector<1x256x1xf32> to vector<1xf32>
    %reduce_sum3A_1259 = vector.shape_cast %reduce_sum3A_1258 : vector<1xf32> to vector<1x1x1xf32>
    %reduce_sum3A_1260 = vector.extract %reduce_sum3A_1259[0, 0, 0] : f32 from vector<1x1x1xf32>
    %mul3A_1261 = arith.constant 2 : i32
    %mul3A_1262 = arith.muli %mul3A_1261, %get3A_1160 : i32
    %eq3A_1263 = vector.broadcast %mul3A_1262 : i32 to vector<128x1xi32>
    %eq3A_1264 = arith.cmpi eq, %iota3A, %eq3A_1263 : vector<128x1xi32>
    %mul3A_1265 = arith.constant 2 : i32
    %mul3A_1266 = arith.muli %mul3A_1265, %get3A_1160 : i32
    %add3A_1267 = arith.constant 1 : i32
    %add3A_1268 = arith.addi %mul3A_1266, %add3A_1267 : i32
    %eq3A_1269 = vector.broadcast %add3A_1268 : i32 to vector<128x1xi32>
    %eq3A_1270 = arith.cmpi eq, %iota3A, %eq3A_1269 : vector<128x1xi32>
    %broadcast_in_dim3A_1271 = vector.broadcast %reduce_sum3A_1260 : f32 to vector<128x1xf32>
    %select_n3A_1272 = arith.select %eq3A_1270, %broadcast_in_dim3A_1271, %select_n3A_1192 : vector<128x1xi1>, vector<128x1xf32>
    %broadcast_in_dim3A_1273 = vector.broadcast %reduce_sum3A_1252 : f32 to vector<128x1xf32>
    %select_n3A_1274 = arith.select %eq3A_1264, %broadcast_in_dim3A_1273, %select_n3A_1272 : vector<128x1xi1>, vector<128x1xf32>
    %get3A_1275 = arith.constant 0 : index
    %get3A_1276 = arith.constant 7 : index
    %get3A_1277 = arith.constant 0 : index
    %get3A_1278 = arith.constant 0 : index
    %get3A_1279 = vector.load %arg4[%get3A_1275, %get3A_1276, %get3A_1277, %get3A_1278] : memref<1x8x256x128xf32, #tpu.memory_space<vmem>>, vector<1x1x256x128xf32>
    %get3A_1280 = vector.shape_cast %get3A_1279 : vector<1x1x256x128xf32> to vector<256x128xf32>
    %get3A_1281 = arith.constant 0 : index
    %get3A_1282 = arith.constant 7 : index
    %get3A_1283 = arith.constant 0 : index
    %get3A_1284 = arith.constant 0 : index
    %get3A_1285 = vector.load %arg6[%get3A_1281, %get3A_1282, %get3A_1283, %get3A_1284] : memref<1x8x256x2xf32, #tpu.memory_space<vmem>>, vector<1x1x256x2xf32>
    %get3A_1286 = vector.shape_cast %get3A_1285 : vector<1x1x256x2xf32> to vector<256x2xf32>
    %slice3A_1287 = vector.extract_strided_slice %get3A_1286 {offsets = [0, 0], sizes = [256, 1], strides = [1, 1]} : vector<256x2xf32> to vector<256x1xf32>
    %slice3A_1288 = vector.extract_strided_slice %get3A_1286 {offsets = [0, 1], sizes = [256, 1], strides = [1, 1]} : vector<256x2xf32> to vector<256x1xf32>
    %broadcast_in_dim3A_1289 = vector.shape_cast %slice3A_1288 : vector<256x1xf32> to vector<256x1xf32>
    %broadcast_in_dim3A_1290 = vector.broadcast %broadcast_in_dim3A_1289 : vector<256x1xf32> to vector<256x128xf32>
    %select_n3A_1291 = arith.select %eq3A_1225, %broadcast_in_dim3A_1290, %get3A_1280 : vector<256x128xi1>, vector<256x128xf32>
    %broadcast_in_dim3A_1292 = vector.shape_cast %slice3A_1287 : vector<256x1xf32> to vector<256x1xf32>
    %broadcast_in_dim3A_1293 = vector.broadcast %broadcast_in_dim3A_1292 : vector<256x1xf32> to vector<256x128xf32>
    %select_n3A_1294 = arith.select %eq3A_1219, %broadcast_in_dim3A_1293, %select_n3A_1291 : vector<256x128xi1>, vector<256x128xf32>
    %mul3A_1295 = vector.broadcast %min3A_1167 : f32 to vector<256x128xf32>
    %mul3A_1296 = arith.mulf %mul3A_1295, %select_n3A_1294 : vector<256x128xf32>
    %swap3A_1297 = arith.constant 0 : index
    %swap3A_1298 = arith.constant 7 : index
    %swap3A_1299 = arith.constant 0 : index
    %swap3A_1300 = arith.constant 0 : index
    %swap3A_1301 = vector.load %arg9[%swap3A_1297, %swap3A_1298, %swap3A_1299, %swap3A_1300] : memref<1x8x256x128xf32, #tpu.memory_space<vmem>>, vector<1x1x256x128xf32>
    %swap3A_1302 = vector.shape_cast %swap3A_1301 : vector<1x1x256x128xf32> to vector<256x128xf32>
    %swap3A_1303 = vector.shape_cast %mul3A_1296 : vector<256x128xf32> to vector<1x1x256x128xf32>
    tpu.vector_store %arg9[%swap3A_1297, %swap3A_1298, %swap3A_1299, %swap3A_1300], %swap3A_1303 {strides = array<i32>} : memref<1x8x256x128xf32, #tpu.memory_space<vmem>>, vector<1x1x256x128xf32>,
    %slice3A_1304 = vector.extract_strided_slice %select_n3A_1274 {offsets = [1, 0], sizes = [127, 1], strides = [1, 1]} : vector<128x1xf32> to vector<127x1xf32>
    %slice3A_1305 = vector.extract_strided_slice %select_n3A_1274 {offsets = [0, 0], sizes = [1, 1], strides = [1, 1]} : vector<128x1xf32> to vector<1x1xf32>
    %concatenate3A_1306 = tpu.concatenate %slice3A_1304, %slice3A_1305 in 0 : vector<127x1xf32>, vector<1x1xf32> -> vector<128x1xf32>
    %slice3A_1307 = vector.extract_strided_slice %select_n3A_1274 {offsets = [127, 0], sizes = [1, 1], strides = [1, 1]} : vector<128x1xf32> to vector<1x1xf32>
    %slice3A_1308 = vector.extract_strided_slice %select_n3A_1274 {offsets = [0, 0], sizes = [127, 1], strides = [1, 1]} : vector<128x1xf32> to vector<127x1xf32>
    %concatenate3A_1309 = tpu.concatenate %slice3A_1307, %slice3A_1308 in 0 : vector<1x1xf32>, vector<127x1xf32> -> vector<128x1xf32>
    %select_n3A_1310 = arith.select %eq3A_16, %concatenate3A_1306, %concatenate3A_1309 : vector<128x1xi1>, vector<128x1xf32>
    %mul3A_1311 = arith.mulf %select_n3A_1274, %select_n3A_20 : vector<128x1xf32>
    %concatenate3A_1312 = tpu.concatenate %mul3A_1311, %select_n3A_1310 in 1 : vector<128x1xf32>, vector<128x1xf32> -> vector<128x2xf32>
    %dot_general3A_1313 = arith.constant dense<0.000000e+00> : vector<256x2xf32>
    %dot_general3A_1314 = tpu.matmul %mul3A_1296, %concatenate3A_1312, %dot_general3A_1313 {dimension_numbers = #tpu.dot_dimension_numbers<[1], [0], [0], [1], [0, 0, 1, 1], [], []>, transpose_lhs_hint = false} : vector<256x128xf32>, vector<128x2xf32>, vector<256x2xf32> -> vector<256x2xf32>
    %swap3A_1315 = arith.constant 0 : index
    %swap3A_1316 = arith.constant 7 : index
    %swap3A_1317 = arith.constant 0 : index
    %swap3A_1318 = arith.constant 0 : index
    %swap3A_1319 = vector.load %arg7[%swap3A_1315, %swap3A_1316, %swap3A_1317, %swap3A_1318] : memref<1x8x256x2xf32, #tpu.memory_space<vmem>>, vector<1x1x256x2xf32>
    %swap3A_1320 = vector.shape_cast %swap3A_1319 : vector<1x1x256x2xf32> to vector<256x2xf32>
    %swap3A_1321 = vector.shape_cast %dot_general3A_1314 : vector<256x2xf32> to vector<1x1x256x2xf32>
    tpu.vector_store %arg7[%swap3A_1315, %swap3A_1316, %swap3A_1317, %swap3A_1318], %swap3A_1321 {strides = array<i32>} : memref<1x8x256x2xf32, #tpu.memory_space<vmem>>, vector<1x1x256x2xf32>,
    return
  }
  func.func @transform_0(%arg0: i32) -> (i32, i32) {
    %c0_i32 = arith.constant 0 : i32
    %c0_i32_0 = arith.constant 0 : i32
    %c0_i32_1 = arith.constant 0 : i32
    return %c0_i32, %c0_i32_0 : i32, i32
  }
  func.func @transform_1(%arg0: i32) -> (i32, i32) {
    %c0_i32 = arith.constant 0 : i32
    %c0_i32_0 = arith.constant 0 : i32
    %c0_i32_1 = arith.constant 0 : i32
    return %c0_i32, %c0_i32_0 : i32, i32
  }
  func.func @transform_2(%arg0: i32) -> (i32, i32, i32, i32) {
    %c0_i32 = arith.constant 0 : i32
    %c0_i32_0 = arith.constant 0 : i32
    %c0_i32_1 = arith.constant 0 : i32
    %c0_i32_2 = arith.constant 0 : i32
    return %arg0, %c0_i32, %c0_i32_0, %c0_i32_1 : i32, i32, i32, i32
  }
  func.func @transform_3(%arg0: i32) -> (i32, i32, i32, i32) {
    %c0_i32 = arith.constant 0 : i32
    %c0_i32_0 = arith.constant 0 : i32
    %c0_i32_1 = arith.constant 0 : i32
    %c0_i32_2 = arith.constant 0 : i32
    return %arg0, %c0_i32, %c0_i32_0, %c0_i32_1 : i32, i32, i32, i32
  }
  func.func @transform_4(%arg0: i32) -> (i32, i32, i32, i32) {
    %c0_i32 = arith.constant 0 : i32
    %c0_i32_0 = arith.constant 0 : i32
    %c0_i32_1 = arith.constant 0 : i32
    %c0_i32_2 = arith.constant 0 : i32
    return %arg0, %c0_i32, %c0_i32_0, %c0_i32_1 : i32, i32, i32, i32
  }
  func.func @transform_5(%arg0: i32) -> (i32, i32, i32, i32) {
    %c0_i32 = arith.constant 0 : i32
    %c0_i32_0 = arith.constant 0 : i32
    %c0_i32_1 = arith.constant 0 : i32
    %c0_i32_2 = arith.constant 0 : i32
    return %arg0, %c0_i32, %c0_i32_0, %c0_i32_1 : i32, i32, i32, i32
  }
  func.func @transform_6(%arg0: i32) -> (i32, i32, i32, i32) {
    %c0_i32 = arith.constant 0 : i32
    %c0_i32_0 = arith.constant 0 : i32
    %c0_i32_1 = arith.constant 0 : i32
    %c0_i32_2 = arith.constant 0 : i32
    return %arg0, %c0_i32, %c0_i32_0, %c0_i32_1 : i32, i32, i32, i32
  }
  func.func @transform_7(%arg0: i32) -> (i32, i32, i32, i32) {
    %c0_i32 = arith.constant 0 : i32
    %c0_i32_0 = arith.constant 0 : i32
    %c0_i32_1 = arith.constant 0 : i32
    %c0_i32_2 = arith.constant 0 : i32
    return %arg0, %c0_i32, %c0_i32_0, %c0_i32_1 : i32, i32, i32, i32
  }
  func.func @transform_8(%arg0: i32) -> (i32, i32, i32, i32) {
    %c0_i32 = arith.constant 0 : i32
    %c0_i32_0 = arith.constant 0 : i32
    %c0_i32_1 = arith.constant 0 : i32
    %c0_i32_2 = arith.constant 0 : i32
    return %arg0, %c0_i32, %c0_i32_0, %c0_i32_1 : i32, i32, i32, i32
  }
}

</mosaic_0001>

<sc_bundles>
// kernel: sparse-core-data-format-call.1.cloned.1.call-start
scs
called_computation.1_lowered:
.L_overlay_start_0:
0x0: {  	s2 =	sld [smem:$0x3FD9]  }
0x1: {  	s3 =	sld [smem:$0x3FFE];
	_ =	sdelay $0x1  }
0x2: {  	s1 =	srdreg.scid  }
0x3: {  	s0 =	sand.u32 $0x1, s1  }
0x4: {  	s15 =	sshll.u32 s0, $0xA;
	s2 =	sadd.s32 s3, s2  }
0x5: {  	s2 =	sadd.s32 s2, s15  }
0x6: {  	[smem:$0x3FC1] =	sst s2  }
0x7: {  	_ = 	snop  }
0x8: {  	s2 =	sld [smem:$0x3FD0];
	_ =	sdelay $0x2  }
0x9: {  	s16 =	simm.s32 $0xB;
	s4 =	simm.s32 $0x10  }
0xa: {  	[smem:s4], [sflag:s16] =	dma.local [hbm:s2], $0x1  }
0xb: {  	_ =	swait.eq [sflag:s16], $0x1  }
0xc: {  	[sflag:s16] =	ssyncset.done $0x0  }
0xd: {  	[sflag:s16] =	ssyncadd.s32 $0xFFFFFFFF  }
0xe: {  	s17 =	sld [smem:$0x11];
	(tm) =	ssettm $0x1  }
0xf: {  	s18 =	sld [smem:$0x3FFB];
	_ =	sdelay $0x3  }
0x10: {  	_ =	strace s18  }
0x11: {  	s3 =	sld [smem:$0x3FFC];
	_ =	sdelay $0x3  }
0x12: {  	_ =	strace s3  }
0x13: {  	s3 =	sld [smem:$0x3FFD];
	_ =	sdelay $0x3  }
0x14: {  	_ =	strace s3  }
0x15: {  	_ =	strace $0x8FFFFFFF  }
0x16: {  	s19 =	sld [smem:$0x3FDB];
	_ =	sdelay $0x1  }
0x17: {  	s20 =	simm.s32 $_scs_section_size  }
0x18: {  	s5 =	simm.s32 $_size__tile_overlayer_lowered;
	s6 =	simm.s32 $_tile_overlayer_lowered  }
0x19: {  	s23 =	simm.s32 $0x1BFF;
	s22 =	sshll.u32 s6, $0x1;
	s3 =	sadd.s32 s20, s19  }
0x1a: {  	s7 =	simm.s32 $0x0;
	s21 =	sshll.u32 s5, $0x1;
	s5 =	sadd.s32 s22, s3  }
0x1b: {  	[timem:s7], [sflag:s23] =	dma.local [hbm:s5], s21  }
0x1c: {  	_ =	swait.ge [sflag:s23], s21  }
0x1d: {  	s4 =	ssub.s32 $0x0, s21;
	[sflag:s23] =	ssyncset.done $0x0  }
0x1e: {  	[sflag:s23] =	ssyncadd.s32 s4;
	_ =	sdelay $0x1  }
0x1f: {  	s24 =	simm.s32 $0x1B8B  }
0x20: {  	_ =	swait.ge [sflag:s24], $0x1  }
0x21: {  	[sflag:s24] =	ssyncset.done $0x0  }
0x22: {  	s26 =	simm.s32 $0x1B8E;
	s25 =	sld [smem:$0x3FFE];
	[sflag:s24] =	ssyncadd.s32 $0xFFFFFFFF  }
0x23: {  	s27 =	simm.s32 $execute0_lowered;
	[smem:$0x3FD2] =	sst s26  }
0x24: {  	s5 =	sshll.u32 s27, $0x1;
	_ =	strace $0x80000046;
	[dreg:$0x1] =	wrdreg $0xFFFFFFFF  }
0x25: {  	s28 =	simm.s32 $_size_execute0_lowered;
	s3 =	sadd.s32 s3, s5;
	[dreg:$0x0] =	wrdreg $0x0  }
0x26: {  	s5 =	sshll.u32 s28, $0x1;
	[dreg:$0x2] =	wrdreg s3  }
0x27: {  	[dreg:$0x3] =	wrdreg s5  }
0x28: {  	[dreg:$0x4] =	wrdreg $0xC0  }
0x29: {  	_ =	task [dreg:s7], $0x5FFFF  }
0x2a: {  	[dreg:$0x1] =	wrdreg $0xFFFFFFFF  }
0x2b: {  	[dreg:$0x0] =	wrdreg $0x60  }
0x2c: {  	[dreg:$0x2] =	wrdreg s25  }
0x2d: {  	[dreg:$0x3] =	wrdreg s17  }
0x2e: {  	[dreg:$0x4] =	wrdreg $0xA  }
0x2f: {  	_ =	task.clear_ibuf [dreg:s7], $0x5FFFF;
	_ =	strace $0x90000046  }
0x30: {  	s29 =	simm.s32 $0xA;
	_ =	strace $0x80000048  }
0x31: {  	_ =	swait.ge [sflag:s29], $0x1  }
0x32: {  	[sflag:s29] =	ssyncadd.s32 $0xFFFFFFFF  }
0x33: {  	_ =	strace $0x90000048  }
0x34: {  	_ =	sfence  }
0x35: {  	s30 =	sld [smem:$0x0];
	_ =	sdelay $0x2  }
0x36: {  	s31 =	sshll.u32 s1, $0xD;
	s1 =	sshrl.u32 s1, $0x2  }
0x37: {  	s3 =	sand.u32 $0x4000, s31;
	s1 =	sadd.s32 s1, s30  }
0x38: {  	s0 =	sor.u32 s3, s0;
	s1 =	sshll.u32 s1, $0x11  }
0x39: {  	s0 =	sor.u32 s1, s0  }
0x3a: {  	s0 =	sadd.s32 $0x8F2B, s0  }
0x3b: {  	[sflag:s0] =	ssyncadd.remote.s32 $0x1  }
0x3c: {  	_ =	sfence.sel $0xFFFF  }
0x3d: {  	[dreg:$0x0] =	wrdreg $0xFFFFFFFF;
	(pc) =	sbr.abs _section_cstart, $3  }
0x3e: {  	[dreg:$0x1] =	wrdreg $0xFFFFFFFF  }
0x3f: {  	_ =	task.clear_ibuf [dreg:s7], $0x2FFFF;
	_ =	strace $0x9FFFFFFF  }
0x40: {  	(tm) =	ssettm $0x7FFFFFFF  }
0x41: {  	_ =	shalt  }
tec
execute0_lowered:
.L_overlay_start_1:
0x0: {  	(tag) =	ssettag $0x1  }
0x1: {  	s1 =	rddreg [dreg:$0x0]  }
0x2: {  	s2 =	rddreg [dreg:$0x1]  }
0x3: {  	s0 =	rddreg [dreg:$0x2];
	_ =	strace $0x80000047;
	s4 =	srdreg.scid  }
0x4: {  	s6 =	simm.s32 $0x2;
	s11 =	simm.s32 $0x0;
	p0 =	por $0x0, $0x0  }
.Ltmp0:
0x5: {  	s7 =	simm.s32 $0x8000;
	s12 =	simm.s32 $0x0;
	(pc) =	sbr.rel .LBB1_1-.Ltmp0, $4  }
0x6: {  	s9 =	simm.s32 $0x0;
	s3 =	sadd.s32 $0x1800, s1;
	s5 =	sshll.u32 s4, $0x4  }
0x7: {  	s1 =	stileid.u32;
	s4 =	simm.s32 $0x1;
	s5 =	sand.u32 $0x10, s5  }
0x8: {  	s8 =	simm.s32 $0x0;
	[sflag:s4] =	ssyncpa.u1 $0x0;
	s5 =	sor.u32 s1, s5  }
0x9: {  	[sflag:s6] =	ssyncpa.u1 $0x0;
	s6 =	simm.s32 $0x800;
	s10 =	smov.u32 s5  }
.LBB1_9:
0xa: {  	s13 =	sadd.s32 $0x4, s9  }
0xb: {  	s11 =	sadd.s32 $0x20, s10;
	s15 =	smov.u32 s10;
	p2 =	sgt.s32 s13, $0x3F  }
0xc: {  	p1 =	slt.u32 s8, $0x2;
	s15 =	smov.u32 @p2 s11  }
0xd: {  	s8 =	sadd.s32 $0x1, s8;
	s13 =	simm.s32 @p2 $0x0;
	p2 =	sgt.s32 s15, $0x3F  }
0xe: {  	s15 =	smov.u32 @p2 s5;
	p2 =	sne.s32 s8, $0x22  }
.Ltmp1:
0xf: {  	_ = 	snop;
	(pc) =	sbr.rel @!p2 .LBB1_10-.Ltmp1, $4  }
0x10: {  	s14 =	simm.s32 @!p1 $0x2  }
0x11: {  	s12 =	smov.u32 s10;
	_ =	swait.ge @!p1 [sflag:s14], $0x4000  }
0x12: {  	p0 =	por !p0, !p0;
	s11 =	smov.u32 s9;
	[sflag:s14] =	ssyncset.done @!p1 $0x0  }
0x13: {  	s9 =	smov.u32 s13;
	[sflag:s14] =	ssyncadd.s32 @!p1 $0xFFFFC000;
	s10 =	smov.u32 s15  }
.LBB1_1:
0x14: {  	p1 =	sgt.u32 s8, $0x1F  }
0x15: {  	s13 =	sxor.u32 @!p1 $0xFFFFFFFF, s8;
	s14 =	sshll.u32 @!p1 s10, $0xF  }
0x16: {  	s15 =	sshll.u32 @!p1 s9, $0x9;
	s13 =	sshll.u32 @!p1 s13, $0xE;
	s14 =	sadd.s32 @!p1 s3, s14  }
0x17: {  	s13 =	sand.u32 @!p1 $0x4000, s13;
	s14 =	sadd.s32 @!p1 s15, s14;
	s15 =	simm.s32 @!p1 $0x0  }
0x18: {  	[tilespmem:s13], [sflag:$0x1] =	stream.linear.gather @!p1 [hbm4b:s14+s15], $0x4000, $0x38;
	[tilespmem:$0x10000] =	vst v63  }
0x19: {  	p1 =	seq.s32 s8, $0x0  }
0x1a: {  	p2 =	seq.s32 @!p1 s8, $0x21  }
0x1b: {  	p1 =	por p1, p2  }
.Ltmp2:
0x1c: {  	_ = 	snop;
	(pc) =	sbr.rel @p1 .LBB1_9-.Ltmp2, $1  }
0x1d: {  	_ =	sdelay $0x3  }
0x1e: {  	s13 =	simm.s32 $0x1;
	_ =	swait.ge [sflag:s4], $0x4000  }
0x1f: {  	s14 =	sshll.u32 s8, $0xE;
	s17 =	simm.s32 $0x0;
	s13 =	simm.s32 @!p0 $0x0  }
0x20: {  	[sflag:s4] =	ssyncset.done $0x0;
	s16 =	sand.u32 $0x4000, s14;
	s13 =	sshll.u32 s13, $0xE  }
0x21: {  	[sflag:s4] =	ssyncadd.s32 $0xFFFFC000;
	s14 =	sor.u32 $0x8000, s16;
	s15 =	sor.u32 $0x8000, s13  }
.LBB1_3:
0x22: {  	s18 =	sshll.u32 s17, $0xC;
	p2 =	por $0x1, $0x1;
	s19 =	simm.s32 $0x0  }
.LBB1_4:
0x23: {  	s20 =	sshll.u32 s19, $0xB  }
0x24: {  	s31 =	sshll.u32 s19, $0x7;
	s21 =	sor.u32 s18, s20;
	s20 =	sand.u32 $0x3FFFF800, s20  }
0x25: {  	s19 =	sand.u32 $0x3FFFFF80, s31;
	s20 =	sadd.s32 s20, s13  }
0x26: {  	s19 =	sadd.s32 s19, s15;
	v3 =	vld [tilespmem:s20+$0x0]  }
0x27: {  	v0 =	vmov s19;
	v4 =	vld [tilespmem:s20+$0x10]  }
0x28: {  	v1 =	vmov s21;
	v5 =	vld [tilespmem:s20+$0x20]  }
0x29: {  	s30 =	simm.s32 $0x0;
	v7 =	vld [tilespmem:s20+$0x30]  }
0x2a: {  	s22 =	sand.u32 $0x300, s30;
	v8 =	vld [tilespmem:s20+$0x40]  }
0x2b: {  	s21 =	sand.u32 $0x80, s30;
	s22 =	sadd.s32 s22, s16;
	s19 =	simm.s32 $0x0;
	v9 =	vld [tilespmem:s20+$0x50]  }
0x2c: {  	s21 =	sadd.s32 s21, s22;
	v10 =	vld [tilespmem:s20+$0x60];
	[tilespmem:v0+s19+$0x0 ss:$0x1] =	vst.idx.msk $0xffff, v3  }
0x2d: {  	v2 =	vld.idx.msk [tilespmem:v1+s21+$0x400 ss:$0x1], $0xffff;
	[tilespmem:v0+s19+$0x10 ss:$0x1] =	vst.idx.msk $0xffff, v4  }
0x2e: {  	v6 =	vld [tilespmem:s20+$0x70];
	[tilespmem:v0+s19+$0x20 ss:$0x1] =	vst.idx.msk $0xffff, v5  }
0x2f: {  	v5 =	vld [tilespmem:s20+$0x410];
	[tilespmem:v0+s19+$0x30 ss:$0x1] =	vst.idx.msk $0xffff, v7  }
0x30: {  	v4 =	vld [tilespmem:s20+$0x420];
	[tilespmem:v0+s19+$0x40 ss:$0x1] =	vst.idx.msk $0xffff, v8  }
0x31: {  	[tilespmem:v0+s19+$0x50 ss:$0x1] =	vst.idx.msk $0xffff, v9;
	v3 =	vld [tilespmem:s20+$0x440]  }
0x32: {  	p1 =	por p2, p2;
	s22 =	simm.s32 $0x80;
	[tilespmem:v0+s19+$0x100 ss:$0x1] =	vst.idx.msk $0xffff, v2;
	v2 =	vld [tilespmem:s20+$0x430]  }
0x33: {  	s23 =	simm.s32 $0x4000;
	s24 =	sand.u32 $0x300, s22;
	s21 =	simm.s32 $0x2000;
	[tilespmem:v0+s19+$0x60 ss:$0x1] =	vst.idx.msk $0xffff, v10;
	v7 =	vld [tilespmem:s20+$0x450]  }
.LBB1_5:
0x34: {  	p2 =	sne.s32 s23, $0xE000;
	s25 =	sand.u32 $0x80, s22;
	s24 =	sadd.s32 s24, s16;
	[tilespmem:v0+s19+$0x70 ss:$0x1] =	vst.idx.msk $0xffff, v6;
	v6 =	vld [tilespmem:s20+$0x460]  }
0x35: {  	s24 =	sadd.s32 s25, s24;
	[tilespmem:v0+s19+$0x110 ss:$0x1] =	vst.idx.msk $0xffff, v5;
	v5 =	vld [tilespmem:s20+$0x470]  }
0x36: {  	s20 =	sadd.s32 $0x80, s20;
	v8 =	vld.idx.msk [tilespmem:v1+s24+$0x400 ss:$0x1], $0xffff;
	[tilespmem:v0+s19+$0x120 ss:$0x1] =	vst.idx.msk $0xffff, v4  }
0x37: {  	v4 =	vld [tilespmem:s20+$0x0];
	[tilespmem:v0+s19+$0x130 ss:$0x1] =	vst.idx.msk $0xffff, v2  }
0x38: {  	v2 =	vld [tilespmem:s20+$0x10];
	[tilespmem:v0+s19+$0x140 ss:$0x1] =	vst.idx.msk $0xffff, v3  }
0x39: {  	v3 =	vld [tilespmem:s20+$0x20];
	[tilespmem:v0+s19+$0x150 ss:$0x1] =	vst.idx.msk $0xffff, v7  }
0x3a: {  	v7 =	vld [tilespmem:s20+$0x30];
	[tilespmem:v0+s19+$0x160 ss:$0x1] =	vst.idx.msk $0xffff, v6  }
0x3b: {  	v9 =	vld [tilespmem:s20+$0x40];
	[tilespmem:v0+s19+$0x170 ss:$0x1] =	vst.idx.msk $0xffff, v5;
	s19 =	sshra.s32 s21, $0x2;
	s21 =	smov.u32 s23  }
0x3c: {  	v10 =	vld [tilespmem:s20+$0x50];
	[tilespmem:v0+s19+$0x100 ss:$0x1] =	vst.idx.msk $0xffff, v8  }
0x3d: {  	[tilespmem:v0+s19+$0x0 ss:$0x1] =	vst.idx.msk $0xffff, v4;
	v8 =	vld [tilespmem:s20+$0x60]  }
0x3e: {  	[tilespmem:v0+s19+$0x10 ss:$0x1] =	vst.idx.msk $0xffff, v2;
	v6 =	vld [tilespmem:s20+$0x70]  }
.Ltmp3:
0x3f: {  	[tilespmem:v0+s19+$0x20 ss:$0x1] =	vst.idx.msk $0xffff, v3;
	v5 =	vld [tilespmem:s20+$0x410];
	(pc) =	sbr.rel @p2 .LBB1_5-.Ltmp3, $4  }
0x40: {  	[tilespmem:v0+s19+$0x30 ss:$0x1] =	vst.idx.msk $0xffff, v7;
	v4 =	vld [tilespmem:s20+$0x420]  }
0x41: {  	[tilespmem:v0+s19+$0x40 ss:$0x1] =	vst.idx.msk $0xffff, v9;
	v2 =	vld [tilespmem:s20+$0x430]  }
0x42: {  	s22 =	sadd.s32 $0x80, s22;
	[tilespmem:v0+s19+$0x50 ss:$0x1] =	vst.idx.msk $0xffff, v10;
	v3 =	vld [tilespmem:s20+$0x440]  }
0x43: {  	s24 =	sand.u32 $0x300, s22;
	s23 =	sadd.s32 $0x2000, s23;
	[tilespmem:v0+s19+$0x60 ss:$0x1] =	vst.idx.msk $0xffff, v8;
	v7 =	vld [tilespmem:s20+$0x450]  }
0x44: {  	_ =	sdelay $0x3  }
0x45: {  	[tilespmem:v0+s19+$0x70 ss:$0x1] =	vst.idx.msk $0xffff, v6  }
0x46: {  	v47 =	vld [tilespmem:s20+$0x460];
	[tilespmem:v0+s19+$0x110 ss:$0x1] =	vst.idx.msk $0xffff, v5  }
0x47: {  	v48 =	vld [tilespmem:s20+$0x470];
	s31 =	sadd.s32 $0x80, s20;
	[tilespmem:v0+s19+$0x120 ss:$0x1] =	vst.idx.msk $0xffff, v4  }
0x48: {  	v49 =	vld [tilespmem:s31+$0x0];
	[tilespmem:v0+s19+$0x130 ss:$0x1] =	vst.idx.msk $0xffff, v2  }
0x49: {  	v50 =	vld [tilespmem:s31+$0x10];
	[tilespmem:v0+s19+$0x140 ss:$0x1] =	vst.idx.msk $0xffff, v3  }
0x4a: {  	v51 =	vld [tilespmem:s31+$0x20];
	[tilespmem:v0+s19+$0x150 ss:$0x1] =	vst.idx.msk $0xffff, v7  }
0x4b: {  	v52 =	vld [tilespmem:s31+$0x30];
	[tilespmem:v0+s19+$0x160 ss:$0x1] =	vst.idx.msk $0xffff, v47  }
0x4c: {  	s21 =	sshra.s32 s21, $0x2;
	v53 =	vld [tilespmem:s31+$0x40];
	[tilespmem:v0+s19+$0x170 ss:$0x1] =	vst.idx.msk $0xffff, v48  }
0x4d: {  	v54 =	vld [tilespmem:s31+$0x50];
	[tilespmem:v0+s21+$0x0 ss:$0x1] =	vst.idx.msk $0xffff, v49  }
0x4e: {  	v55 =	vld [tilespmem:s31+$0x60];
	[tilespmem:v0+s21+$0x10 ss:$0x1] =	vst.idx.msk $0xffff, v50  }
0x4f: {  	v56 =	vld [tilespmem:s31+$0x70];
	[tilespmem:v0+s21+$0x20 ss:$0x1] =	vst.idx.msk $0xffff, v51  }
0x50: {  	v57 =	vld [tilespmem:s31+$0x410];
	[tilespmem:v0+s21+$0x30 ss:$0x1] =	vst.idx.msk $0xffff, v52  }
0x51: {  	v58 =	vld [tilespmem:s31+$0x420];
	[tilespmem:v0+s21+$0x40 ss:$0x1] =	vst.idx.msk $0xffff, v53  }
0x52: {  	v59 =	vld [tilespmem:s31+$0x430];
	[tilespmem:v0+s21+$0x50 ss:$0x1] =	vst.idx.msk $0xffff, v54  }
0x53: {  	v60 =	vld [tilespmem:s31+$0x440];
	[tilespmem:v0+s21+$0x60 ss:$0x1] =	vst.idx.msk $0xffff, v55  }
0x54: {  	v61 =	vld [tilespmem:s31+$0x450];
	[tilespmem:v0+s21+$0x70 ss:$0x1] =	vst.idx.msk $0xffff, v56  }
0x55: {  	s22 =	sand.u32 $0x80, s22;
	s23 =	sadd.s32 s24, s16;
	v62 =	vld [tilespmem:s31+$0x460];
	[tilespmem:v0+s21+$0x110 ss:$0x1] =	vst.idx.msk $0xffff, v57  }
0x56: {  	s22 =	sadd.s32 s22, s23;
	v63 =	vld [tilespmem:s31+$0x470];
	[tilespmem:v0+s21+$0x120 ss:$0x1] =	vst.idx.msk $0xffff, v58  }
0x57: {  	v1 =	vld.idx.msk [tilespmem:v1+s22+$0x400 ss:$0x1], $0xffff;
	[tilespmem:v0+s21+$0x130 ss:$0x1] =	vst.idx.msk $0xffff, v59  }
.Ltmp4:
0x58: {  	[tilespmem:v0+s21+$0x140 ss:$0x1] =	vst.idx.msk $0xffff, v60;
	(pc) =	sbr.rel @p1 .LBB1_4-.Ltmp4, $4  }
0x59: {  	[tilespmem:v0+s21+$0x150 ss:$0x1] =	vst.idx.msk $0xffff, v61  }
0x5a: {  	[tilespmem:v0+s21+$0x160 ss:$0x1] =	vst.idx.msk $0xffff, v62  }
0x5b: {  	[tilespmem:v0+s21+$0x170 ss:$0x1] =	vst.idx.msk $0xffff, v63  }
0x5c: {  	p2 =	por $0x0, $0x0;
	s19 =	simm.s32 $0x1;
	[tilespmem:v0+s21+$0x100 ss:$0x1] =	vst.idx.msk $0xffff, v1  }
0x5d: {  	s17 =	sadd.s32 $0x1, s17  }
0x5e: {  	p1 =	sne.s32 s17, $0x4  }
.Ltmp5:
0x5f: {  	_ = 	snop;
	(pc) =	sbr.rel @p1 .LBB1_3-.Ltmp5, $2  }
0x60: {  	_ =	sdelay $0x2  }
0x61: {  	s15 =	sadd.s32 $0x200, s15;
	s13 =	sadd.s32 $0x1000, s13  }
.Ltmp6:
0x62: {  	(pc) =	sbr.rel .LBB1_9-.Ltmp6, $4  }
0x63: {  	s12 =	sshll.u32 s12, $0xF  }
0x64: {  	s11 =	sshll.u32 s11, $0x6;
	s12 =	sadd.s32 s2, s12  }
0x65: {  	s11 =	sadd.s32 s11, s12  }
0x66: {  	[hbm4b:s11+s6] =	stream.strided.scatter [tilespmem:s14], [sflag:$0x2], $0x4000, s7, s6, $0x38;
	[tilespmem:$0x10000] =	vst v63  }
.LBB1_10:
0x67: {  	_ =	sfence.sel $0x180000  }
0x68: {  	s2 =	simm.s32 $0x1;
	[bflag:$0x0] =	sbarrier.arrive $0xFFFF  }
0x69: {  	s31 =	simm.s32 $0x2;
	[sflag:s2] =	ssyncpa.u1 $0x1  }
0x6a: {  	[sflag:s31] =	ssyncpa.u1 $0x1  }
0x6b: {  	p0 =	sne.s32 s1, $0x0;
	_ =	strace $0x90000047  }
0x6c: {  	s0 =	sadd.s32 @!p0 $0x100000, s0;
	[bflag:$0x2] =	sbarrier.arrive $0xFFFF  }
0x6d: {  	[sflag:s0] =	ssyncadd.tile.s32 @!p0 $0x1;
	_ =	shalt  }
.Lfunc_end1:
_tile_overlayer_lowered:
.L_overlay_start_2:
0x6e: {  	(tag) =	ssettag $0x2  }
0x6f: {  	s0 =	rddreg [dreg:$0x0];
	s2 =	stileid.u32  }
0x70: {  	s1 =	rddreg [dreg:$0x1];
	p0 =	sne.s32 s2, $0x0  }
0x71: {  	s3 =	rddreg [dreg:$0x2];
	[bflag:$0x3] =	sbarrier.arrive $0xFFFF;
	s2 =	simm.s32 @!p0 $0x1C01  }
0x72: {  	[timem:s3], [sflag:s2] =	dma.local @!p0 [hbm:s0], s1  }
0x73: {  	s0 =	simm.s32 @!p0 $0x1  }
0x74: {  	_ =	swait.ge @!p0 [sflag:s0], s1  }
0x75: {  	s1 =	ssub.s32 @!p0 $0x0, s1;
	[sflag:s0] =	ssyncset.done @!p0 $0x0  }
0x76: {  	[sflag:s0] =	ssyncadd.s32 @!p0 s1  }
0x77: {  	[bflag:$0x3] =	sbarrier.arrive $0xFFFF  }
0x78: {  	_ =	shalt  }

// kernel: sparse-core-data-format-call.cloned.1.call-start
scs
called_computation_lowered:
.L_overlay_start_0:
0x0: {  	s2 =	sld [smem:$0x3FD9]  }
0x1: {  	s3 =	sld [smem:$0x3FFE];
	_ =	sdelay $0x1  }
0x2: {  	s1 =	srdreg.scid  }
0x3: {  	s0 =	sand.u32 $0x1, s1  }
0x4: {  	s16 =	sshll.u32 s0, $0xA;
	s2 =	sadd.s32 s3, s2  }
0x5: {  	s2 =	sadd.s32 s2, s16  }
0x6: {  	[smem:$0x3FC1] =	sst s2  }
0x7: {  	_ = 	snop  }
0x8: {  	s2 =	sld [smem:$0x3FD0];
	_ =	sdelay $0x2  }
0x9: {  	s17 =	simm.s32 $0xB;
	s4 =	simm.s32 $0x10  }
0xa: {  	[smem:s4], [sflag:s17] =	dma.local [hbm:s2], $0x1  }
0xb: {  	_ =	swait.eq [sflag:s17], $0x1  }
0xc: {  	[sflag:s17] =	ssyncset.done $0x0  }
0xd: {  	[sflag:s17] =	ssyncadd.s32 $0xFFFFFFFF  }
0xe: {  	s18 =	sld [smem:$0x12];
	(tm) =	ssettm $0x1  }
0xf: {  	s19 =	sld [smem:$0x3FFB];
	_ =	sdelay $0x3  }
0x10: {  	_ =	strace s19  }
0x11: {  	s2 =	sld [smem:$0x3FFC];
	_ =	sdelay $0x3  }
0x12: {  	_ =	strace s2  }
0x13: {  	s2 =	sld [smem:$0x3FFD];
	_ =	sdelay $0x3  }
0x14: {  	_ =	strace s2  }
0x15: {  	_ =	strace $0x8FFFFFFF  }
0x16: {  	s20 =	sld [smem:$0x3FDB];
	_ =	sdelay $0x1  }
0x17: {  	s21 =	simm.s32 $_scs_section_size  }
0x18: {  	s5 =	simm.s32 $_size__tile_overlayer_lowered;
	s6 =	simm.s32 $_tile_overlayer_lowered  }
0x19: {  	s7 =	simm.s32 $0x1BFF;
	s22 =	sshll.u32 s6, $0x1;
	s4 =	sadd.s32 s21, s20  }
0x1a: {  	s23 =	simm.s32 $0x0;
	s5 =	sshll.u32 s5, $0x1;
	s6 =	sadd.s32 s22, s4  }
0x1b: {  	[timem:s23], [sflag:s7] =	dma.local [hbm:s6], s5  }
0x1c: {  	_ =	swait.ge [sflag:s7], s5  }
0x1d: {  	s5 =	ssub.s32 $0x0, s5;
	[sflag:s7] =	ssyncset.done $0x0  }
0x1e: {  	[sflag:s7] =	ssyncadd.s32 s5;
	_ =	sdelay $0x1  }
0x1f: {  	s24 =	simm.s32 $0x1B8B  }
0x20: {  	_ =	swait.ge [sflag:s24], $0x1  }
0x21: {  	[sflag:s24] =	ssyncset.done $0x0  }
0x22: {  	[sflag:s24] =	ssyncadd.s32 $0xFFFFFFFF  }
0x23: {  	s5 =	sld [smem:$0x0]  }
0x24: {  	s6 =	sand.u32 $0xFFFFFFFE, s1  }
0x25: {  	p0 =	sne.s32 s1, s6  }
0x26: {  	s6 =	sshll.u32 @p0 s6, $0xE  }
0x27: {  	s6 =	sadd.s32 @p0 $0x11B8D, s6;
	s7 =	sshll.u32 @p0 s5, $0x11  }
0x28: {  	s6 =	sor.u32 @p0 s7, s6  }
0x29: {  	[sflag:s6] =	ssyncadd.remote.s32 @p0 $0x1;
	_ =	sdelay $0x1  }
0x2a: {  	s6 =	simm.s32 @p0 $0x1B8D  }
0x2b: {  	_ =	swait.eq @p0 [sflag:s6], $0x1  }
0x2c: {  	[sflag:s6] =	ssyncadd.s32 @p0 $0xFFFFFFFF  }
0x2d: {  	s7 =	sshll.u32 @!p0 s1, $0xE  }
0x2e: {  	s7 =	sor.u32 @!p0 $0x4000, s7;
	s6 =	simm.s32 @!p0 $0x1B8D  }
0x2f: {  	s5 =	sshll.u32 @!p0 s5, $0x11;
	s7 =	sadd.s32 @!p0 $0x11B8D, s7;
	_ =	swait.eq @!p0 [sflag:s6], $0x1  }
0x30: {  	s5 =	sor.u32 @!p0 s5, s7;
	[sflag:s6] =	ssyncadd.s32 @!p0 $0xFFFFFFFF  }
0x31: {  	s26 =	simm.s32 $0x1B8E;
	s25 =	sld [smem:$0x3FFE];
	[sflag:s5] =	ssyncadd.remote.s32 @!p0 $0x1  }
0x32: {  	s27 =	simm.s32 $execute0_lowered;
	[smem:$0x3FD2] =	sst s26  }
0x33: {  	s6 =	sshll.u32 s27, $0x1;
	_ =	strace $0x80000049;
	[dreg:$0x1] =	wrdreg $0xFFFFFFFF  }
0x34: {  	s28 =	simm.s32 $_size_execute0_lowered;
	s4 =	sadd.s32 s4, s6;
	[dreg:$0x0] =	wrdreg $0x0  }
0x35: {  	s6 =	sshll.u32 s28, $0x1;
	[dreg:$0x2] =	wrdreg s4  }
0x36: {  	[dreg:$0x3] =	wrdreg s6  }
0x37: {  	[dreg:$0x4] =	wrdreg $0xC0  }
0x38: {  	_ =	task [dreg:s23], $0x5FFFF  }
0x39: {  	[dreg:$0x1] =	wrdreg $0xFFFFFFFF  }
0x3a: {  	[dreg:$0x0] =	wrdreg $0x60  }
0x3b: {  	[dreg:$0x2] =	wrdreg s25  }
0x3c: {  	[dreg:$0x3] =	wrdreg s18  }
0x3d: {  	[dreg:$0x4] =	wrdreg $0x9  }
0x3e: {  	_ =	task.clear_ibuf [dreg:s23], $0x5FFFF;
	_ =	strace $0x90000049  }
0x3f: {  	s29 =	simm.s32 $0x9;
	_ =	strace $0x8000004B  }
0x40: {  	_ =	swait.ge [sflag:s29], $0x1  }
0x41: {  	[sflag:s29] =	ssyncadd.s32 $0xFFFFFFFF  }
0x42: {  	_ =	strace $0x9000004B  }
0x43: {  	_ =	sfence  }
0x44: {  	s30 =	sld [smem:$0x0];
	_ =	sdelay $0x2  }
0x45: {  	s31 =	sshll.u32 s1, $0xD;
	s1 =	sshrl.u32 s1, $0x2  }
0x46: {  	s4 =	sand.u32 $0x4000, s31;
	s1 =	sadd.s32 s1, s30  }
0x47: {  	s0 =	sor.u32 s4, s0;
	s1 =	sshll.u32 s1, $0x11  }
0x48: {  	s0 =	sor.u32 s1, s0  }
0x49: {  	s0 =	sadd.s32 $0x8F2B, s0  }
0x4a: {  	[sflag:s0] =	ssyncadd.remote.s32 $0x1  }
0x4b: {  	_ =	sfence.sel $0xFFFF  }
0x4c: {  	[dreg:$0x0] =	wrdreg $0xFFFFFFFF;
	(pc) =	sbr.abs _section_cstart, $3  }
0x4d: {  	[dreg:$0x1] =	wrdreg $0xFFFFFFFF  }
0x4e: {  	_ =	task.clear_ibuf [dreg:s23], $0x2FFFF;
	_ =	strace $0x9FFFFFFF  }
0x4f: {  	(tm) =	ssettm $0x7FFFFFFF  }
tec
execute0_lowered:
.L_overlay_start_1:
0x0: {  	(tag) =	ssettag $0x1  }
0x1: {  	s1 =	rddreg [dreg:$0x0]  }
0x2: {  	s2 =	rddreg [dreg:$0x1]  }
0x3: {  	s0 =	rddreg [dreg:$0x2];
	_ =	strace $0x8000004A;
	s4 =	srdreg.scid  }
0x4: {  	s6 =	simm.s32 $0x2;
	s11 =	simm.s32 $0x0;
	p0 =	por $0x0, $0x0  }
.Ltmp0:
0x5: {  	s7 =	simm.s32 $0x8000;
	s12 =	simm.s32 $0x0;
	(pc) =	sbr.rel .LBB1_1-.Ltmp0, $4  }
0x6: {  	s9 =	simm.s32 $0x0;
	s3 =	sadd.s32 $0x201800, s1;
	s5 =	sshll.u32 s4, $0x4  }
0x7: {  	s1 =	stileid.u32;
	s4 =	simm.s32 $0x1;
	s5 =	sand.u32 $0x10, s5  }
0x8: {  	s8 =	simm.s32 $0x0;
	[sflag:s4] =	ssyncpa.u1 $0x0;
	s5 =	sor.u32 s1, s5  }
0x9: {  	[sflag:s6] =	ssyncpa.u1 $0x0;
	s6 =	simm.s32 $0x800;
	s10 =	smov.u32 s5  }
.LBB1_9:
0xa: {  	s13 =	sadd.s32 $0x4, s9  }
0xb: {  	s11 =	sadd.s32 $0x20, s10;
	s15 =	smov.u32 s10;
	p2 =	sgt.s32 s13, $0x3F  }
0xc: {  	p1 =	slt.u32 s8, $0x2;
	s15 =	smov.u32 @p2 s11  }
0xd: {  	s8 =	sadd.s32 $0x1, s8;
	s13 =	simm.s32 @p2 $0x0;
	p2 =	sgt.s32 s15, $0x3F  }
0xe: {  	s15 =	smov.u32 @p2 s5;
	p2 =	sne.s32 s8, $0x22  }
.Ltmp1:
0xf: {  	_ = 	snop;
	(pc) =	sbr.rel @!p2 .LBB1_10-.Ltmp1, $4  }
0x10: {  	s14 =	simm.s32 @!p1 $0x2  }
0x11: {  	s12 =	smov.u32 s10;
	_ =	swait.ge @!p1 [sflag:s14], $0x4000  }
0x12: {  	p0 =	por !p0, !p0;
	s11 =	smov.u32 s9;
	[sflag:s14] =	ssyncset.done @!p1 $0x0  }
0x13: {  	s9 =	smov.u32 s13;
	[sflag:s14] =	ssyncadd.s32 @!p1 $0xFFFFC000;
	s10 =	smov.u32 s15  }
.LBB1_1:
0x14: {  	p1 =	sgt.u32 s8, $0x1F  }
0x15: {  	s13 =	sxor.u32 @!p1 $0xFFFFFFFF, s8;
	s14 =	sshll.u32 @!p1 s10, $0xF  }
0x16: {  	s15 =	sshll.u32 @!p1 s9, $0x9;
	s13 =	sshll.u32 @!p1 s13, $0xE;
	s14 =	sadd.s32 @!p1 s3, s14  }
0x17: {  	s13 =	sand.u32 @!p1 $0x4000, s13;
	s14 =	sadd.s32 @!p1 s15, s14;
	s15 =	simm.s32 @!p1 $0x0  }
0x18: {  	[tilespmem:s13], [sflag:$0x1] =	stream.linear.gather @!p1 [hbm4b:s14+s15], $0x4000, $0x38;
	[tilespmem:$0x10000] =	vst v63  }
0x19: {  	p1 =	seq.s32 s8, $0x0  }
0x1a: {  	p2 =	seq.s32 @!p1 s8, $0x21  }
0x1b: {  	p1 =	por p1, p2  }
.Ltmp2:
0x1c: {  	_ = 	snop;
	(pc) =	sbr.rel @p1 .LBB1_9-.Ltmp2, $1  }
0x1d: {  	_ =	sdelay $0x3  }
0x1e: {  	s13 =	simm.s32 $0x1;
	_ =	swait.ge [sflag:s4], $0x4000  }
0x1f: {  	s14 =	sshll.u32 s8, $0xE;
	s17 =	simm.s32 $0x0;
	s13 =	simm.s32 @!p0 $0x0  }
0x20: {  	[sflag:s4] =	ssyncset.done $0x0;
	s16 =	sand.u32 $0x4000, s14;
	s13 =	sshll.u32 s13, $0xE  }
0x21: {  	[sflag:s4] =	ssyncadd.s32 $0xFFFFC000;
	s14 =	sor.u32 $0x8000, s16;
	s15 =	sor.u32 $0x8000, s13  }
.LBB1_3:
0x22: {  	s18 =	sshll.u32 s17, $0xC;
	p2 =	por $0x1, $0x1;
	s19 =	simm.s32 $0x0  }
.LBB1_4:
0x23: {  	s20 =	sshll.u32 s19, $0xB  }
0x24: {  	s31 =	sshll.u32 s19, $0x7;
	s21 =	sor.u32 s18, s20;
	s20 =	sand.u32 $0x3FFFF800, s20  }
0x25: {  	s19 =	sand.u32 $0x3FFFFF80, s31;
	s20 =	sadd.s32 s20, s13  }
0x26: {  	s19 =	sadd.s32 s19, s15;
	v3 =	vld [tilespmem:s20+$0x0]  }
0x27: {  	v0 =	vmov s19;
	v4 =	vld [tilespmem:s20+$0x10]  }
0x28: {  	v1 =	vmov s21;
	v5 =	vld [tilespmem:s20+$0x20]  }
0x29: {  	s30 =	simm.s32 $0x0;
	v7 =	vld [tilespmem:s20+$0x30]  }
0x2a: {  	s22 =	sand.u32 $0x300, s30;
	v8 =	vld [tilespmem:s20+$0x40]  }
0x2b: {  	s21 =	sand.u32 $0x80, s30;
	s22 =	sadd.s32 s22, s16;
	s19 =	simm.s32 $0x0;
	v9 =	vld [tilespmem:s20+$0x50]  }
0x2c: {  	s21 =	sadd.s32 s21, s22;
	v10 =	vld [tilespmem:s20+$0x60];
	[tilespmem:v0+s19+$0x0 ss:$0x1] =	vst.idx.msk $0xffff, v3  }
0x2d: {  	v2 =	vld.idx.msk [tilespmem:v1+s21+$0x400 ss:$0x1], $0xffff;
	[tilespmem:v0+s19+$0x10 ss:$0x1] =	vst.idx.msk $0xffff, v4  }
0x2e: {  	v6 =	vld [tilespmem:s20+$0x70];
	[tilespmem:v0+s19+$0x20 ss:$0x1] =	vst.idx.msk $0xffff, v5  }
0x2f: {  	v5 =	vld [tilespmem:s20+$0x410];
	[tilespmem:v0+s19+$0x30 ss:$0x1] =	vst.idx.msk $0xffff, v7  }
0x30: {  	v4 =	vld [tilespmem:s20+$0x420];
	[tilespmem:v0+s19+$0x40 ss:$0x1] =	vst.idx.msk $0xffff, v8  }
0x31: {  	[tilespmem:v0+s19+$0x50 ss:$0x1] =	vst.idx.msk $0xffff, v9;
	v3 =	vld [tilespmem:s20+$0x440]  }
0x32: {  	p1 =	por p2, p2;
	s22 =	simm.s32 $0x80;
	[tilespmem:v0+s19+$0x100 ss:$0x1] =	vst.idx.msk $0xffff, v2;
	v2 =	vld [tilespmem:s20+$0x430]  }
0x33: {  	s23 =	simm.s32 $0x4000;
	s24 =	sand.u32 $0x300, s22;
	s21 =	simm.s32 $0x2000;
	[tilespmem:v0+s19+$0x60 ss:$0x1] =	vst.idx.msk $0xffff, v10;
	v7 =	vld [tilespmem:s20+$0x450]  }
.LBB1_5:
0x34: {  	p2 =	sne.s32 s23, $0xE000;
	s25 =	sand.u32 $0x80, s22;
	s24 =	sadd.s32 s24, s16;
	[tilespmem:v0+s19+$0x70 ss:$0x1] =	vst.idx.msk $0xffff, v6;
	v6 =	vld [tilespmem:s20+$0x460]  }
0x35: {  	s24 =	sadd.s32 s25, s24;
	[tilespmem:v0+s19+$0x110 ss:$0x1] =	vst.idx.msk $0xffff, v5;
	v5 =	vld [tilespmem:s20+$0x470]  }
0x36: {  	s20 =	sadd.s32 $0x80, s20;
	v8 =	vld.idx.msk [tilespmem:v1+s24+$0x400 ss:$0x1], $0xffff;
	[tilespmem:v0+s19+$0x120 ss:$0x1] =	vst.idx.msk $0xffff, v4  }
0x37: {  	v4 =	vld [tilespmem:s20+$0x0];
	[tilespmem:v0+s19+$0x130 ss:$0x1] =	vst.idx.msk $0xffff, v2  }
0x38: {  	v2 =	vld [tilespmem:s20+$0x10];
	[tilespmem:v0+s19+$0x140 ss:$0x1] =	vst.idx.msk $0xffff, v3  }
0x39: {  	v3 =	vld [tilespmem:s20+$0x20];
	[tilespmem:v0+s19+$0x150 ss:$0x1] =	vst.idx.msk $0xffff, v7  }
0x3a: {  	v7 =	vld [tilespmem:s20+$0x30];
	[tilespmem:v0+s19+$0x160 ss:$0x1] =	vst.idx.msk $0xffff, v6  }
0x3b: {  	v9 =	vld [tilespmem:s20+$0x40];
	[tilespmem:v0+s19+$0x170 ss:$0x1] =	vst.idx.msk $0xffff, v5;
	s19 =	sshra.s32 s21, $0x2;
	s21 =	smov.u32 s23  }
0x3c: {  	v10 =	vld [tilespmem:s20+$0x50];
	[tilespmem:v0+s19+$0x100 ss:$0x1] =	vst.idx.msk $0xffff, v8  }
0x3d: {  	[tilespmem:v0+s19+$0x0 ss:$0x1] =	vst.idx.msk $0xffff, v4;
	v8 =	vld [tilespmem:s20+$0x60]  }
0x3e: {  	[tilespmem:v0+s19+$0x10 ss:$0x1] =	vst.idx.msk $0xffff, v2;
	v6 =	vld [tilespmem:s20+$0x70]  }
.Ltmp3:
0x3f: {  	[tilespmem:v0+s19+$0x20 ss:$0x1] =	vst.idx.msk $0xffff, v3;
	v5 =	vld [tilespmem:s20+$0x410];
	(pc) =	sbr.rel @p2 .LBB1_5-.Ltmp3, $4  }
0x40: {  	[tilespmem:v0+s19+$0x30 ss:$0x1] =	vst.idx.msk $0xffff, v7;
	v4 =	vld [tilespmem:s20+$0x420]  }
0x41: {  	[tilespmem:v0+s19+$0x40 ss:$0x1] =	vst.idx.msk $0xffff, v9;
	v2 =	vld [tilespmem:s20+$0x430]  }
0x42: {  	s22 =	sadd.s32 $0x80, s22;
	[tilespmem:v0+s19+$0x50 ss:$0x1] =	vst.idx.msk $0xffff, v10;
	v3 =	vld [tilespmem:s20+$0x440]  }
0x43: {  	s24 =	sand.u32 $0x300, s22;
	s23 =	sadd.s32 $0x2000, s23;
	[tilespmem:v0+s19+$0x60 ss:$0x1] =	vst.idx.msk $0xffff, v8;
	v7 =	vld [tilespmem:s20+$0x450]  }
0x44: {  	_ =	sdelay $0x3  }
0x45: {  	[tilespmem:v0+s19+$0x70 ss:$0x1] =	vst.idx.msk $0xffff, v6  }
0x46: {  	v47 =	vld [tilespmem:s20+$0x460];
	[tilespmem:v0+s19+$0x110 ss:$0x1] =	vst.idx.msk $0xffff, v5  }
0x47: {  	v48 =	vld [tilespmem:s20+$0x470];
	s31 =	sadd.s32 $0x80, s20;
	[tilespmem:v0+s19+$0x120 ss:$0x1] =	vst.idx.msk $0xffff, v4  }
0x48: {  	v49 =	vld [tilespmem:s31+$0x0];
	[tilespmem:v0+s19+$0x130 ss:$0x1] =	vst.idx.msk $0xffff, v2  }
0x49: {  	v50 =	vld [tilespmem:s31+$0x10];
	[tilespmem:v0+s19+$0x140 ss:$0x1] =	vst.idx.msk $0xffff, v3  }
0x4a: {  	v51 =	vld [tilespmem:s31+$0x20];
	[tilespmem:v0+s19+$0x150 ss:$0x1] =	vst.idx.msk $0xffff, v7  }
0x4b: {  	v52 =	vld [tilespmem:s31+$0x30];
	[tilespmem:v0+s19+$0x160 ss:$0x1] =	vst.idx.msk $0xffff, v47  }
0x4c: {  	s21 =	sshra.s32 s21, $0x2;
	v53 =	vld [tilespmem:s31+$0x40];
	[tilespmem:v0+s19+$0x170 ss:$0x1] =	vst.idx.msk $0xffff, v48  }
0x4d: {  	v54 =	vld [tilespmem:s31+$0x50];
	[tilespmem:v0+s21+$0x0 ss:$0x1] =	vst.idx.msk $0xffff, v49  }
0x4e: {  	v55 =	vld [tilespmem:s31+$0x60];
	[tilespmem:v0+s21+$0x10 ss:$0x1] =	vst.idx.msk $0xffff, v50  }
0x4f: {  	v56 =	vld [tilespmem:s31+$0x70];
	[tilespmem:v0+s21+$0x20 ss:$0x1] =	vst.idx.msk $0xffff, v51  }
0x50: {  	v57 =	vld [tilespmem:s31+$0x410];
	[tilespmem:v0+s21+$0x30 ss:$0x1] =	vst.idx.msk $0xffff, v52  }
0x51: {  	v58 =	vld [tilespmem:s31+$0x420];
	[tilespmem:v0+s21+$0x40 ss:$0x1] =	vst.idx.msk $0xffff, v53  }
0x52: {  	v59 =	vld [tilespmem:s31+$0x430];
	[tilespmem:v0+s21+$0x50 ss:$0x1] =	vst.idx.msk $0xffff, v54  }
0x53: {  	v60 =	vld [tilespmem:s31+$0x440];
	[tilespmem:v0+s21+$0x60 ss:$0x1] =	vst.idx.msk $0xffff, v55  }
0x54: {  	v61 =	vld [tilespmem:s31+$0x450];
	[tilespmem:v0+s21+$0x70 ss:$0x1] =	vst.idx.msk $0xffff, v56  }
0x55: {  	s22 =	sand.u32 $0x80, s22;
	s23 =	sadd.s32 s24, s16;
	v62 =	vld [tilespmem:s31+$0x460];
	[tilespmem:v0+s21+$0x110 ss:$0x1] =	vst.idx.msk $0xffff, v57  }
0x56: {  	s22 =	sadd.s32 s22, s23;
	v63 =	vld [tilespmem:s31+$0x470];
	[tilespmem:v0+s21+$0x120 ss:$0x1] =	vst.idx.msk $0xffff, v58  }
0x57: {  	v1 =	vld.idx.msk [tilespmem:v1+s22+$0x400 ss:$0x1], $0xffff;
	[tilespmem:v0+s21+$0x130 ss:$0x1] =	vst.idx.msk $0xffff, v59  }
.Ltmp4:
0x58: {  	[tilespmem:v0+s21+$0x140 ss:$0x1] =	vst.idx.msk $0xffff, v60;
	(pc) =	sbr.rel @p1 .LBB1_4-.Ltmp4, $4  }
0x59: {  	[tilespmem:v0+s21+$0x150 ss:$0x1] =	vst.idx.msk $0xffff, v61  }
0x5a: {  	[tilespmem:v0+s21+$0x160 ss:$0x1] =	vst.idx.msk $0xffff, v62  }
0x5b: {  	[tilespmem:v0+s21+$0x170 ss:$0x1] =	vst.idx.msk $0xffff, v63  }
0x5c: {  	p2 =	por $0x0, $0x0;
	s19 =	simm.s32 $0x1;
	[tilespmem:v0+s21+$0x100 ss:$0x1] =	vst.idx.msk $0xffff, v1  }
0x5d: {  	s17 =	sadd.s32 $0x1, s17  }
0x5e: {  	p1 =	sne.s32 s17, $0x4  }
.Ltmp5:
0x5f: {  	_ = 	snop;
	(pc) =	sbr.rel @p1 .LBB1_3-.Ltmp5, $2  }
0x60: {  	_ =	sdelay $0x2  }
0x61: {  	s15 =	sadd.s32 $0x200, s15;
	s13 =	sadd.s32 $0x1000, s13  }
.Ltmp6:
0x62: {  	(pc) =	sbr.rel .LBB1_9-.Ltmp6, $4  }
0x63: {  	s12 =	sshll.u32 s12, $0xF  }
0x64: {  	s11 =	sshll.u32 s11, $0x6;
	s12 =	sadd.s32 s2, s12  }
0x65: {  	s11 =	sadd.s32 s11, s12  }
0x66: {  	[hbm4b:s11+s6] =	stream.strided.scatter [tilespmem:s14], [sflag:$0x2], $0x4000, s7, s6, $0x38;
	[tilespmem:$0x10000] =	vst v63  }
.LBB1_10:
0x67: {  	_ =	sfence.sel $0x180000  }
0x68: {  	s2 =	simm.s32 $0x1;
	[bflag:$0x0] =	sbarrier.arrive $0xFFFF  }
0x69: {  	s31 =	simm.s32 $0x2;
	[sflag:s2] =	ssyncpa.u1 $0x1  }
0x6a: {  	[sflag:s31] =	ssyncpa.u1 $0x1  }
0x6b: {  	p0 =	sne.s32 s1, $0x0;
	_ =	strace $0x9000004A  }
0x6c: {  	s0 =	sadd.s32 @!p0 $0x100000, s0;
	[bflag:$0x2] =	sbarrier.arrive $0xFFFF  }
0x6d: {  	[sflag:s0] =	ssyncadd.tile.s32 @!p0 $0x1;
	_ =	shalt  }
.Lfunc_end1:
_tile_overlayer_lowered:
.L_overlay_start_2:
0x6e: {  	(tag) =	ssettag $0x2  }
0x6f: {  	s0 =	rddreg [dreg:$0x0];
	s2 =	stileid.u32  }
0x70: {  	s1 =	rddreg [dreg:$0x1];
	p0 =	sne.s32 s2, $0x0  }
0x71: {  	s3 =	rddreg [dreg:$0x2];
	[bflag:$0x3] =	sbarrier.arrive $0xFFFF;
	s2 =	simm.s32 @!p0 $0x1C01  }
0x72: {  	[timem:s3], [sflag:s2] =	dma.local @!p0 [hbm:s0], s1  }
0x73: {  	s0 =	simm.s32 @!p0 $0x1  }
0x74: {  	_ =	swait.ge @!p0 [sflag:s0], s1  }
0x75: {  	s1 =	ssub.s32 @!p0 $0x0, s1;
	[sflag:s0] =	ssyncset.done @!p0 $0x0  }
0x76: {  	[sflag:s0] =	ssyncadd.s32 @!p0 s1  }
0x77: {  	[bflag:$0x3] =	sbarrier.arrive $0xFFFF  }
0x78: {  	_ =	shalt  }

</sc_bundles>
